<compile_context>
chip_gen: v7x
topology: tpu7x:2x2x1
jax: 0.10.2.dev20260603
libtpu: 0.0.44.dev20260713+nightly
codegen_flags: <defaults>
</compile_context>

<pallas_src>
import functools

import jax
import jax.numpy as jnp
from jax import lax
from jax.experimental import pallas as pl
from jax.experimental.pallas import tpu as pltpu
from jax.experimental.pallas import tpu_sc as plsc

T = 2048
D = 768
E = 8
H = 4 * D
BLK = 256
NB = 15
P = NB * BLK
CAP = 2048
EPS = 1e-6

NUM_CORES = 2
NUM_SUBCORES = 16
NW = NUM_CORES * NUM_SUBCORES
CHUNK = T // NW
CLANE = 128


def _route_body(x_ref, wg_ref, bg_ref, dst_ref, coef_ref, seg_ref, loss_ref):
    x = x_ref[...]
    wg = wg_ref[...]
    logits = lax.dot_general(x, wg, (((1,), (1,)), ((), ())),
                             preferred_element_type=jnp.float32)
    logits = logits + bg_ref[...]
    m = jnp.max(logits, axis=1, keepdims=True)
    ex = jnp.exp(logits - m)
    gate = ex / jnp.sum(ex, axis=1, keepdims=True)

    p = jnp.max(gate, axis=1, keepdims=True)
    colid = lax.broadcasted_iota(jnp.int32, (T, E), 1)
    e_idx = jnp.min(jnp.where(gate == p, colid, E), axis=1, keepdims=True)
    onehot = (colid == e_idx).astype(jnp.float32)

    msum = jnp.sum(gate * onehot, axis=0, keepdims=True)
    denom = msum + EPS
    coef = p * jnp.sum(onehot / denom, axis=1, keepdims=True) * CAP
    coef_ref[...] = jnp.broadcast_to(coef, (T, CLANE))

    load = msum / denom * CAP
    importance = jnp.sum(load) / T
    loss_ref[...] = jnp.broadcast_to(jnp.mean((load - importance) ** 2), (1, 1))

    G = 16
    S = T // G
    oh3 = onehot.reshape(G, S, E)
    gs = jnp.sum(oh3, axis=1)
    trig = jnp.where(lax.broadcasted_iota(jnp.int32, (G, G), 0)
                     < lax.broadcasted_iota(jnp.int32, (G, G), 1), 1.0, 0.0)
    gpre = lax.dot_general(trig, gs, (((0,), (0,)), ((), ())),
                           preferred_element_type=jnp.float32)
    tris = jnp.where(lax.broadcasted_iota(jnp.int32, (S, S), 0)
                     > lax.broadcasted_iota(jnp.int32, (S, S), 1),
                     1.0, 0.0).astype(jnp.bfloat16)
    parts = []
    for g in range(G):
        rk_g = lax.dot_general(tris, oh3[g].astype(jnp.bfloat16),
                               (((1,), (0,)), ((), ())),
                               preferred_element_type=jnp.float32)
        parts.append(rk_g + gpre[g:g + 1, :])
    rank_mat = jnp.concatenate(parts, axis=0)
    rank = jnp.sum(rank_mat * onehot, axis=1, keepdims=True)

    counts = jnp.sum(onehot, axis=0, keepdims=True)
    nb_e = jnp.floor((counts + (BLK - 1)) * (1.0 / BLK))
    tri8 = jnp.where(lax.broadcasted_iota(jnp.int32, (E, E), 0)
                     < lax.broadcasted_iota(jnp.int32, (E, E), 1), 1.0, 0.0)
    pad_blk = lax.dot_general(nb_e, tri8, (((1,), (0,)), ((), ())),
                              preferred_element_type=jnp.float32)
    pad_off = pad_blk * BLK
    dst = jnp.sum(onehot * pad_off, axis=1, keepdims=True) + rank
    dst_ref[...] = dst.astype(jnp.int32)

    seg_ref[...] = jnp.concatenate([pad_blk, nb_e], axis=0).astype(jnp.int32)


_route = pl.pallas_call(
    _route_body,
    out_shape=[
        jax.ShapeDtypeStruct((T, 1), jnp.int32),
        jax.ShapeDtypeStruct((T, CLANE), jnp.float32),
        jax.ShapeDtypeStruct((2, E), jnp.int32),
        jax.ShapeDtypeStruct((1, 1), jnp.float32),
    ],
)


@functools.cache
def _sc_kernels():
    mesh = plsc.VectorSubcoreMesh(core_axis_name="c", subcore_axis_name="s",
                                  num_cores=NUM_CORES, num_subcores=NUM_SUBCORES)

    @functools.partial(
        pl.kernel, mesh=mesh,
        out_type=[
            jax.ShapeDtypeStruct((P, D), jnp.float32),
            jax.ShapeDtypeStruct((P, CLANE), jnp.float32),
        ],
        scratch_types=[
            pltpu.VMEM((CHUNK,), jnp.int32),
            pltpu.VMEM((CHUNK, D), jnp.float32),
            pltpu.VMEM((CHUNK, CLANE), jnp.float32),
            pltpu.SemaphoreType.DMA,
            pltpu.SemaphoreType.DMA,
        ],
    )
    def _scatter_rows(x_hbm, dst_hbm, coef_hbm, xp_hbm, cp_hbm,
                      idx_v, rows_v, coefr_v, sem, sem2):
        wid = lax.axis_index("s") * NUM_CORES + lax.axis_index("c")
        base = wid * CHUNK
        pltpu.sync_copy(dst_hbm.at[pl.ds(base, CHUNK)], idx_v)
        pltpu.sync_copy(x_hbm.at[pl.ds(base, CHUNK)], rows_v)
        pltpu.sync_copy(coef_hbm.at[pl.ds(base, CHUNK)], coefr_v)
        c1 = pltpu.async_copy(rows_v, xp_hbm.at[idx_v], sem)
        c2 = pltpu.async_copy(coefr_v, cp_hbm.at[idx_v], sem2)
        c1.wait()
        c2.wait()

    @functools.partial(
        pl.kernel, mesh=mesh,
        out_type=jax.ShapeDtypeStruct((T, D), jnp.float32),
        scratch_types=[
            pltpu.VMEM((CHUNK,), jnp.int32),
            pltpu.VMEM((CHUNK, D), jnp.float32),
            pltpu.SemaphoreType.DMA,
        ],
    )
    def _gather_rows(yp_hbm, dst_hbm, out_hbm, idx_v, rows_v, sem):
        wid = lax.axis_index("s") * NUM_CORES + lax.axis_index("c")
        base = wid * CHUNK
        pltpu.sync_copy(dst_hbm.at[pl.ds(base, CHUNK)], idx_v)
        pltpu.async_copy(yp_hbm.at[idx_v], rows_v, sem).wait()
        pltpu.sync_copy(rows_v, out_hbm.at[pl.ds(base, CHUNK)])

    return _scatter_rows, _gather_rows


H2 = H // 2


def _ffn_body(info_ref, xp_ref, cp_ref, w1_ref, b1_ref, w2_ref, b2_ref, out_ref):
    e = pl.program_id(0)
    j = pl.program_id(1)
    start = info_ref[0, e]
    nb = info_ref[1, e]

    def run(r0, rows):
        xb = xp_ref[pl.ds(r0, rows), :]
        h = lax.dot_general(xb, w1_ref[...], (((1,), (1,)), ((), ())),
                            preferred_element_type=jnp.float32)
        h = h + b1_ref[0]
        h = h * jax.nn.sigmoid(1.702 * h)
        y = lax.dot_general(h, w2_ref[...], (((1,), (1,)), ((), ())),
                            preferred_element_type=jnp.float32)

        @pl.when(j == 0)
        def _():
            out_ref[pl.ds(r0, rows), :] = y

        @pl.when(j == 1)
        def _():
            acc = out_ref[pl.ds(r0, rows), :] + y + b2_ref[0]
            out_ref[pl.ds(r0, rows), :] = acc * cp_ref[pl.ds(r0, rows), 0:1]

    n2 = nb // 2

    def body(k, carry):
        run(start * BLK + k * (2 * BLK), 2 * BLK)
        return carry

    lax.fori_loop(0, n2, body, 0)

    @pl.when(nb % 2 == 1)
    def _():
        run((start + nb - 1) * BLK, BLK)


_ffn = pl.pallas_call(
    _ffn_body,
    grid_spec=pltpu.PrefetchScalarGridSpec(
        num_scalar_prefetch=1,
        grid=(E, 2),
        in_specs=[
            pl.BlockSpec((P, D), lambda e, j, info: (0, 0)),
            pl.BlockSpec((P, CLANE), lambda e, j, info: (0, 0)),
            pl.BlockSpec((H2, D), lambda e, j, info: (2 * e + j, 0)),
            pl.BlockSpec((1, 1, H2), lambda e, j, info: (e, 0, j)),
            pl.BlockSpec((D, H2), lambda e, j, info: (e, j)),
            pl.BlockSpec((1, 1, D), lambda e, j, info: (e, 0, 0)),
        ],
        out_specs=pl.BlockSpec((P, D), lambda e, j, info: (0, 0)),
    ),
    out_shape=jax.ShapeDtypeStruct((P, D), jnp.float32),
    compiler_params=pltpu.CompilerParams(
        vmem_limit_bytes=64 * 1024 * 1024,
    ),
)


def kernel(x, wg, bg, W1, b1, W2, b2):
    scatter_rows, gather_rows = _sc_kernels()
    dst2, coef2, info, loss = _route(x, wg, bg.reshape(1, E))
    dst = dst2.reshape(T)
    xp, cp = scatter_rows(x, dst, coef2)
    yp = _ffn(info, xp, cp, W1.reshape(E * H, D), b1.reshape(E, 1, H),
              W2.reshape(E * D, H), b2.reshape(E, 1, D))
    out = gather_rows(yp, dst)
    return out, loss.reshape(())

# --- scband reference (transcript-rebuilt; emitter-appended) ---
"""Pipeline reference for scband-switch-mo-e-53979148976156 (READ-ONLY COPY).

The authoritative reference and input builder live on the scoring server;
editing this copy changes nothing except your own understanding.
"""

import jax, jax.numpy as jnp
import numpy as np

T = 2048
DIM = 768
E = 8
HID = 4 * DIM
K = 1          # SwitchGate receives capacity_factor(=1.0) positionally as k -> int(1.0) = 1
CAP_FACTOR = 1.0  # gate.capacity_factor stays at its default 1.0
EPS = 1e-6


def setup_inputs(seed: int = 0) -> dict:
    key = jax.random.key(seed)
    ks = jax.random.split(key, 8)
    x = jax.random.normal(ks[0], (T, DIM), dtype=jnp.float32)
    # gate linear: torch Linear(dim, num_experts) -> weight [E, DIM], bias [E]
    wg = jax.random.normal(ks[1], (E, DIM), dtype=jnp.float32) * 0.02
    bg = jnp.zeros((E,), dtype=jnp.float32)
    # expert FFNs: Linear(DIM, HID) then Linear(HID, DIM), stacked over experts
    W1 = jax.random.normal(ks[2], (E, HID, DIM), dtype=jnp.float32) * 0.02
    b1 = jnp.zeros((E, HID), dtype=jnp.float32)
    W2 = jax.random.normal(ks[3], (E, DIM, HID), dtype=jnp.float32) * 0.02
    b2 = jnp.zeros((E, DIM), dtype=jnp.float32)
    return {"x": x, "wg": wg, "bg": bg, "W1": W1, "b1": b1, "W2": W2, "b2": b2}


def reference(x, wg, bg, W1, b1, W2, b2):
    # ---- SwitchGate (use_aux_loss=True) ----
    logits = x @ wg.T + bg
    gate = jax.nn.softmax(logits, axis=-1)            # [T, E]
    capacity = int(CAP_FACTOR * T)
    top_k_scores, top_k_indices = jax.lax.top_k(gate, K)
    rows = jnp.arange(T)[:, None]
    mask = jnp.zeros_like(gate).at[rows, top_k_indices].set(1.0)  # scatter_ ones
    masked = gate * mask
    denom = masked.sum(axis=0, keepdims=True) + EPS
    gate_scores = masked / denom * capacity           # [T, E]
    load = gate_scores.sum(axis=0)                    # [E]
    importance = gate_scores.sum(axis=1).mean(axis=0) # scalar
    loss = ((load - importance) ** 2).mean()
    # ---- dense experts: every expert on every token ----
    h = jnp.einsum('td,ehd->teh', x, W1) + b1[None, :, :]   # [T, E, HID]
    h = h * jax.nn.sigmoid(1.702 * h)                        # Fast_GELU
    y = jnp.einsum('teh,edh->ted', h, W2) + b2[None, :, :]   # [T, E, DIM]
    stacked = jnp.transpose(y, (0, 2, 1))                    # [T, DIM, E]
    moe_output = jnp.sum(gate_scores[:, None, :] * stacked, axis=-1)  # [T, DIM]
    return (moe_output, loss)

if __name__ == "__main__":
    import jax
    _d = setup_inputs()
    print(jax.jit(kernel)(*tuple(_d.values())))

</pallas_src>

<mosaic_0001>
#map = affine_map<(d0, d1) -> (0, 0)>
#map1 = affine_map<(d0, d1) -> (0)>
module attributes {stable_mosaic.version = 14 : i64} {
  func.func @_scatter_rows(%arg0: i32, %arg1: i32, %arg2: memref<2048x768xf32, #tpu.memory_space<hbm>>, %arg3: memref<2048xi32, #tpu.memory_space<hbm>>, %arg4: memref<2048x128xf32, #tpu.memory_space<hbm>>, %arg5: memref<3840x768xf32, #tpu.memory_space<hbm>>, %arg6: memref<3840x128xf32, #tpu.memory_space<hbm>>, %arg7: memref<64xi32, #tpu.memory_space<vmem>>, %arg8: memref<64x768xf32, #tpu.memory_space<vmem>>, %arg9: memref<64x128xf32, #tpu.memory_space<vmem>>, %arg10: memref<!tpu.dma_semaphore, #tpu.memory_space<semaphore_mem>>, %arg11: memref<!tpu.dma_semaphore, #tpu.memory_space<semaphore_mem>>) attributes {dimension_semantics = [#tpu.dimension_semantics<core_parallel>, #tpu.dimension_semantics<subcore_parallel>], iteration_bounds = array<i64: 2, 16>, scalar_prefetch = 0 : i64, scratch_operands = 5 : i64, tpu.core_type = #tpu.core_type<sc_vector_subcore>, window_params = [{transform_indices = #map}, {transform_indices = #map1}, {transform_indices = #map}, {transform_indices = #map}, {transform_indices = #map}]} {
    %mul3A = arith.constant 2 : i32
    %mul3A_0 = arith.muli %arg1, %mul3A : i32
    %add3A = arith.addi %mul3A_0, %arg0 : i32
    %mul3A_1 = arith.constant 64 : i32
    %mul3A_2 = arith.muli %add3A, %mul3A_1 : i32
    "tpu.region"() ({
      %run_scoped3A = tpu.sem_alloc : memref<!tpu.dma_semaphore, #tpu.memory_space<semaphore_mem>>
      %dma_start3A_13 = tpu.memref_slice %arg3[%mul3A_2] : memref<2048xi32, #tpu.memory_space<hbm>> -> memref<64xi32, #tpu.memory_space<hbm>>
      %dma_start3A_14 = tpu.memref_slice %arg3[%mul3A_2] : memref<2048xi32, #tpu.memory_space<hbm>> -> memref<64xi32, #tpu.memory_space<hbm>>
      tpu.enqueue_dma source(%dma_start3A_14 : memref<64xi32, #tpu.memory_space<hbm>>) target(%arg7 : memref<64xi32, #tpu.memory_space<vmem>>) target_semaphore(%run_scoped3A : memref<!tpu.dma_semaphore, #tpu.memory_space<semaphore_mem>>)
      %dma_wait3A_15 = tpu.memref_slice %arg3[%mul3A_2] : memref<2048xi32, #tpu.memory_space<hbm>> -> memref<64xi32, #tpu.memory_space<hbm>>
      %dma_wait3A_16 = tpu.memref_slice %arg3[%mul3A_2] : memref<2048xi32, #tpu.memory_space<hbm>> -> memref<64xi32, #tpu.memory_space<hbm>>
      tpu.wait_dma2 semaphore(%run_scoped3A : memref<!tpu.dma_semaphore, #tpu.memory_space<semaphore_mem>>) src(%dma_wait3A_16 : memref<64xi32, #tpu.memory_space<hbm>>) dst(%arg7 : memref<64xi32, #tpu.memory_space<vmem>>)
      tpu.yield
    }) : () -> ()
    "tpu.region"() ({
      %run_scoped3A = tpu.sem_alloc : memref<!tpu.dma_semaphore, #tpu.memory_space<semaphore_mem>>
      %dma_start3A_13 = arith.constant 0 : i32
      %dma_start3A_14 = tpu.memref_slice %arg2[%mul3A_2, %dma_start3A_13] : memref<2048x768xf32, #tpu.memory_space<hbm>> -> memref<64x768xf32, #tpu.memory_space<hbm>>
      %dma_start3A_15 = arith.constant 0 : i32
      %dma_start3A_16 = tpu.memref_slice %arg2[%mul3A_2, %dma_start3A_15] : memref<2048x768xf32, #tpu.memory_space<hbm>> -> memref<64x768xf32, #tpu.memory_space<hbm>>
      tpu.enqueue_dma source(%dma_start3A_16 : memref<64x768xf32, #tpu.memory_space<hbm>>) target(%arg8 : memref<64x768xf32, #tpu.memory_space<vmem>>) target_semaphore(%run_scoped3A : memref<!tpu.dma_semaphore, #tpu.memory_space<semaphore_mem>>)
      %dma_wait3A_17 = arith.constant 0 : i32
      %dma_wait3A_18 = tpu.memref_slice %arg2[%mul3A_2, %dma_wait3A_17] : memref<2048x768xf32, #tpu.memory_space<hbm>> -> memref<64x768xf32, #tpu.memory_space<hbm>>
      %dma_wait3A_19 = arith.constant 0 : i32
      %dma_wait3A_20 = tpu.memref_slice %arg2[%mul3A_2, %dma_wait3A_19] : memref<2048x768xf32, #tpu.memory_space<hbm>> -> memref<64x768xf32, #tpu.memory_space<hbm>>
      tpu.wait_dma2 semaphore(%run_scoped3A : memref<!tpu.dma_semaphore, #tpu.memory_space<semaphore_mem>>) src(%dma_wait3A_20 : memref<64x768xf32, #tpu.memory_space<hbm>>) dst(%arg8 : memref<64x768xf32, #tpu.memory_space<vmem>>)
      tpu.yield
    }) : () -> ()
    "tpu.region"() ({
      %run_scoped3A = tpu.sem_alloc : memref<!tpu.dma_semaphore, #tpu.memory_space<semaphore_mem>>
      %dma_start3A_13 = arith.constant 0 : i32
      %dma_start3A_14 = tpu.memref_slice %arg4[%mul3A_2, %dma_start3A_13] : memref<2048x128xf32, #tpu.memory_space<hbm>> -> memref<64x128xf32, #tpu.memory_space<hbm>>
      %dma_start3A_15 = arith.constant 0 : i32
      %dma_start3A_16 = tpu.memref_slice %arg4[%mul3A_2, %dma_start3A_15] : memref<2048x128xf32, #tpu.memory_space<hbm>> -> memref<64x128xf32, #tpu.memory_space<hbm>>
      tpu.enqueue_dma source(%dma_start3A_16 : memref<64x128xf32, #tpu.memory_space<hbm>>) target(%arg9 : memref<64x128xf32, #tpu.memory_space<vmem>>) target_semaphore(%run_scoped3A : memref<!tpu.dma_semaphore, #tpu.memory_space<semaphore_mem>>)
      %dma_wait3A_17 = arith.constant 0 : i32
      %dma_wait3A_18 = tpu.memref_slice %arg4[%mul3A_2, %dma_wait3A_17] : memref<2048x128xf32, #tpu.memory_space<hbm>> -> memref<64x128xf32, #tpu.memory_space<hbm>>
      %dma_wait3A_19 = arith.constant 0 : i32
      %dma_wait3A_20 = tpu.memref_slice %arg4[%mul3A_2, %dma_wait3A_19] : memref<2048x128xf32, #tpu.memory_space<hbm>> -> memref<64x128xf32, #tpu.memory_space<hbm>>
      tpu.wait_dma2 semaphore(%run_scoped3A : memref<!tpu.dma_semaphore, #tpu.memory_space<semaphore_mem>>) src(%dma_wait3A_20 : memref<64x128xf32, #tpu.memory_space<hbm>>) dst(%arg9 : memref<64x128xf32, #tpu.memory_space<vmem>>)
      tpu.yield
    }) : () -> ()
    %dma_start3A = arith.constant 0 : i32
    %dma_start3A_3 = arith.constant 0 : i32
    %dma_start3A_4 = tpu.memref_slice %arg5[%dma_start3A, %dma_start3A_3] : memref<3840x768xf32, #tpu.memory_space<hbm>> -> memref<3840x768xf32, #tpu.memory_space<hbm>>
    tpu.enqueue_indirect_dma source(%arg8 : memref<64x768xf32, #tpu.memory_space<vmem>>) target(%dma_start3A_4 : memref<3840x768xf32, #tpu.memory_space<hbm>>) offsets(%arg7 : memref<64xi32, #tpu.memory_space<vmem>>) semaphore(%arg10 : memref<!tpu.dma_semaphore, #tpu.memory_space<semaphore_mem>>)
    %dma_start3A_5 = arith.constant 0 : i32
    %dma_start3A_6 = arith.constant 0 : i32
    %dma_start3A_7 = tpu.memref_slice %arg6[%dma_start3A_5, %dma_start3A_6] : memref<3840x128xf32, #tpu.memory_space<hbm>> -> memref<3840x128xf32, #tpu.memory_space<hbm>>
    tpu.enqueue_indirect_dma source(%arg9 : memref<64x128xf32, #tpu.memory_space<vmem>>) target(%dma_start3A_7 : memref<3840x128xf32, #tpu.memory_space<hbm>>) offsets(%arg7 : memref<64xi32, #tpu.memory_space<vmem>>) semaphore(%arg11 : memref<!tpu.dma_semaphore, #tpu.memory_space<semaphore_mem>>)
    %dma_wait3A = arith.constant 0 : i32
    %dma_wait3A_8 = arith.constant 0 : i32
    %dma_wait3A_9 = tpu.memref_slice %arg5[%dma_wait3A, %dma_wait3A_8] : memref<3840x768xf32, #tpu.memory_space<hbm>> -> memref<3840x768xf32, #tpu.memory_space<hbm>>
    tpu.wait_indirect_dma semaphore(%arg10 : memref<!tpu.dma_semaphore, #tpu.memory_space<semaphore_mem>>) src(%arg8 : memref<64x768xf32, #tpu.memory_space<vmem>>) dst(%dma_wait3A_9 : memref<3840x768xf32, #tpu.memory_space<hbm>>)
    %dma_wait3A_10 = arith.constant 0 : i32
    %dma_wait3A_11 = arith.constant 0 : i32
    %dma_wait3A_12 = tpu.memref_slice %arg6[%dma_wait3A_10, %dma_wait3A_11] : memref<3840x128xf32, #tpu.memory_space<hbm>> -> memref<3840x128xf32, #tpu.memory_space<hbm>>
    tpu.wait_indirect_dma semaphore(%arg11 : memref<!tpu.dma_semaphore, #tpu.memory_space<semaphore_mem>>) src(%arg9 : memref<64x128xf32, #tpu.memory_space<vmem>>) dst(%dma_wait3A_12 : memref<3840x128xf32, #tpu.memory_space<hbm>>)
    return
  }
}

#map = affine_map<(d0, d1) -> (0, 0)>
#map1 = affine_map<(d0, d1) -> (0)>
module attributes {stable_mosaic.version = 14 : i64} {
  func.func @_gather_rows(%arg0: i32, %arg1: i32, %arg2: memref<3840x768xf32, #tpu.memory_space<hbm>>, %arg3: memref<2048xi32, #tpu.memory_space<hbm>>, %arg4: memref<2048x768xf32, #tpu.memory_space<hbm>>, %arg5: memref<64xi32, #tpu.memory_space<vmem>>, %arg6: memref<64x768xf32, #tpu.memory_space<vmem>>, %arg7: memref<!tpu.dma_semaphore, #tpu.memory_space<semaphore_mem>>) attributes {dimension_semantics = [#tpu.dimension_semantics<core_parallel>, #tpu.dimension_semantics<subcore_parallel>], iteration_bounds = array<i64: 2, 16>, scalar_prefetch = 0 : i64, scratch_operands = 3 : i64, tpu.core_type = #tpu.core_type<sc_vector_subcore>, window_params = [{transform_indices = #map}, {transform_indices = #map1}, {transform_indices = #map}]} {
    %mul3A = arith.constant 2 : i32
    %mul3A_0 = arith.muli %arg1, %mul3A : i32
    %add3A = arith.addi %mul3A_0, %arg0 : i32
    %mul3A_1 = arith.constant 64 : i32
    %mul3A_2 = arith.muli %add3A, %mul3A_1 : i32
    "tpu.region"() ({
      %run_scoped3A = tpu.sem_alloc : memref<!tpu.dma_semaphore, #tpu.memory_space<semaphore_mem>>
      %dma_start3A_7 = tpu.memref_slice %arg3[%mul3A_2] : memref<2048xi32, #tpu.memory_space<hbm>> -> memref<64xi32, #tpu.memory_space<hbm>>
      %dma_start3A_8 = tpu.memref_slice %arg3[%mul3A_2] : memref<2048xi32, #tpu.memory_space<hbm>> -> memref<64xi32, #tpu.memory_space<hbm>>
      tpu.enqueue_dma source(%dma_start3A_8 : memref<64xi32, #tpu.memory_space<hbm>>) target(%arg5 : memref<64xi32, #tpu.memory_space<vmem>>) target_semaphore(%run_scoped3A : memref<!tpu.dma_semaphore, #tpu.memory_space<semaphore_mem>>)
      %dma_wait3A_9 = tpu.memref_slice %arg3[%mul3A_2] : memref<2048xi32, #tpu.memory_space<hbm>> -> memref<64xi32, #tpu.memory_space<hbm>>
      %dma_wait3A_10 = tpu.memref_slice %arg3[%mul3A_2] : memref<2048xi32, #tpu.memory_space<hbm>> -> memref<64xi32, #tpu.memory_space<hbm>>
      tpu.wait_dma2 semaphore(%run_scoped3A : memref<!tpu.dma_semaphore, #tpu.memory_space<semaphore_mem>>) src(%dma_wait3A_10 : memref<64xi32, #tpu.memory_space<hbm>>) dst(%arg5 : memref<64xi32, #tpu.memory_space<vmem>>)
      tpu.yield
    }) : () -> ()
    %dma_start3A = arith.constant 0 : i32
    %dma_start3A_3 = arith.constant 0 : i32
    %dma_start3A_4 = tpu.memref_slice %arg2[%dma_start3A, %dma_start3A_3] : memref<3840x768xf32, #tpu.memory_space<hbm>> -> memref<3840x768xf32, #tpu.memory_space<hbm>>
    tpu.enqueue_indirect_dma source(%dma_start3A_4 : memref<3840x768xf32, #tpu.memory_space<hbm>>) target(%arg6 : memref<64x768xf32, #tpu.memory_space<vmem>>) offsets(%arg5 : memref<64xi32, #tpu.memory_space<vmem>>) semaphore(%arg7 : memref<!tpu.dma_semaphore, #tpu.memory_space<semaphore_mem>>)
    %dma_wait3A = arith.constant 0 : i32
    %dma_wait3A_5 = arith.constant 0 : i32
    %dma_wait3A_6 = tpu.memref_slice %arg2[%dma_wait3A, %dma_wait3A_5] : memref<3840x768xf32, #tpu.memory_space<hbm>> -> memref<3840x768xf32, #tpu.memory_space<hbm>>
    tpu.wait_indirect_dma semaphore(%arg7 : memref<!tpu.dma_semaphore, #tpu.memory_space<semaphore_mem>>) src(%dma_wait3A_6 : memref<3840x768xf32, #tpu.memory_space<hbm>>) dst(%arg6 : memref<64x768xf32, #tpu.memory_space<vmem>>)
    "tpu.region"() ({
      %run_scoped3A = tpu.sem_alloc : memref<!tpu.dma_semaphore, #tpu.memory_space<semaphore_mem>>
      %dma_start3A_7 = arith.constant 0 : i32
      %dma_start3A_8 = tpu.memref_slice %arg4[%mul3A_2, %dma_start3A_7] : memref<2048x768xf32, #tpu.memory_space<hbm>> -> memref<64x768xf32, #tpu.memory_space<hbm>>
      %dma_start3A_9 = arith.constant 0 : i32
      %dma_start3A_10 = tpu.memref_slice %arg4[%mul3A_2, %dma_start3A_9] : memref<2048x768xf32, #tpu.memory_space<hbm>> -> memref<64x768xf32, #tpu.memory_space<hbm>>
      tpu.enqueue_dma source(%arg6 : memref<64x768xf32, #tpu.memory_space<vmem>>) target(%dma_start3A_10 : memref<64x768xf32, #tpu.memory_space<hbm>>) target_semaphore(%run_scoped3A : memref<!tpu.dma_semaphore, #tpu.memory_space<semaphore_mem>>)
      %dma_wait3A_11 = arith.constant 0 : i32
      %dma_wait3A_12 = tpu.memref_slice %arg4[%mul3A_2, %dma_wait3A_11] : memref<2048x768xf32, #tpu.memory_space<hbm>> -> memref<64x768xf32, #tpu.memory_space<hbm>>
      %dma_wait3A_13 = arith.constant 0 : i32
      %dma_wait3A_14 = tpu.memref_slice %arg4[%mul3A_2, %dma_wait3A_13] : memref<2048x768xf32, #tpu.memory_space<hbm>> -> memref<64x768xf32, #tpu.memory_space<hbm>>
      tpu.wait_dma2 semaphore(%run_scoped3A : memref<!tpu.dma_semaphore, #tpu.memory_space<semaphore_mem>>) src(%arg6 : memref<64x768xf32, #tpu.memory_space<vmem>>) dst(%dma_wait3A_14 : memref<64x768xf32, #tpu.memory_space<hbm>>)
      tpu.yield
    }) : () -> ()
    return
  }
}

module attributes {stable_mosaic.version = 14 : i64} {
  func.func @_route_body(%arg0: memref<2048x768xf32, #tpu.memory_space<vmem>>, %arg1: memref<8x768xf32, #tpu.memory_space<vmem>>, %arg2: memref<1x8xf32, #tpu.memory_space<vmem>>, %arg3: memref<2048x1xi32, #tpu.memory_space<vmem>>, %arg4: memref<2048x128xf32, #tpu.memory_space<vmem>>, %arg5: memref<2x8xi32, #tpu.memory_space<vmem>>, %arg6: memref<1x1xf32, #tpu.memory_space<vmem>>) attributes {dimension_semantics = [], scalar_prefetch = 0 : i64, scratch_operands = 0 : i64, tpu.core_type = #tpu.core_type<tc>} {
    %get3A = arith.constant 0 : index
    %get3A_0 = arith.constant 0 : index
    %get3A_1 = vector.load %arg0[%get3A, %get3A_0] : memref<2048x768xf32, #tpu.memory_space<vmem>>, vector<2048x768xf32>
    %get3A_2 = arith.constant 0 : index
    %get3A_3 = arith.constant 0 : index
    %get3A_4 = vector.load %arg1[%get3A_2, %get3A_3] : memref<8x768xf32, #tpu.memory_space<vmem>>, vector<8x768xf32>
    %dot_general3A = arith.constant dense<0.000000e+00> : vector<2048x8xf32>
    %dot_general3A_5 = tpu.matmul %get3A_1, %get3A_4, %dot_general3A {dimension_numbers = #tpu.dot_dimension_numbers<[1], [1], [0], [0], [0, 0, 1, 0], [], []>, transpose_lhs_hint = false} : vector<2048x768xf32>, vector<8x768xf32>, vector<2048x8xf32> -> vector<2048x8xf32>
    %get3A_6 = arith.constant 0 : index
    %get3A_7 = arith.constant 0 : index
    %get3A_8 = vector.load %arg2[%get3A_6, %get3A_7] : memref<1x8xf32, #tpu.memory_space<vmem>>, vector<1x8xf32>
    %add3A = vector.broadcast %get3A_8 : vector<1x8xf32> to vector<2048x8xf32>
    %add3A_9 = arith.addf %dot_general3A_5, %add3A : vector<2048x8xf32>
    %reduce_max3A = arith.constant dense<0xFF800000> : vector<2048xf32>
    %reduce_max3A_10 = vector.multi_reduction <maximumf>, %add3A_9, %reduce_max3A [1] : vector<2048x8xf32> to vector<2048xf32>
    %broadcast_in_dim3A = vector.shape_cast %reduce_max3A_10 : vector<2048xf32> to vector<2048x1xf32>
    %sub3A = vector.broadcast %broadcast_in_dim3A : vector<2048x1xf32> to vector<2048x8xf32>
    %sub3A_11 = arith.subf %add3A_9, %sub3A : vector<2048x8xf32>
    %exp3A = math.exp %sub3A_11 : vector<2048x8xf32>
    %reduce_sum3A = arith.constant dense<0.000000e+00> : vector<2048xf32>
    %reduce_sum3A_12 = vector.multi_reduction <add>, %exp3A, %reduce_sum3A [1] : vector<2048x8xf32> to vector<2048xf32>
    %broadcast_in_dim3A_13 = vector.shape_cast %reduce_sum3A_12 : vector<2048xf32> to vector<2048x1xf32>
    %div3A = vector.broadcast %broadcast_in_dim3A_13 : vector<2048x1xf32> to vector<2048x8xf32>
    %div3A_14 = arith.divf %exp3A, %div3A : vector<2048x8xf32>
    %reduce_max3A_15 = arith.constant dense<0xFF800000> : vector<2048xf32>
    %reduce_max3A_16 = vector.multi_reduction <maximumf>, %div3A_14, %reduce_max3A_15 [1] : vector<2048x8xf32> to vector<2048xf32>
    %broadcast_in_dim3A_17 = vector.shape_cast %reduce_max3A_16 : vector<2048xf32> to vector<2048x1xf32>
    %iota3A = tpu.iota {dimensions = array<i32: 1>} : vector<2048x8xi32>
    %eq3A = vector.broadcast %broadcast_in_dim3A_17 : vector<2048x1xf32> to vector<2048x8xf32>
    %eq3A_18 = arith.cmpf oeq, %div3A_14, %eq3A : vector<2048x8xf32>
    %jit3A = arith.constant 8 : i32
    %broadcast_in_dim3A_19 = vector.broadcast %jit3A : i32 to vector<2048x8xi32>
    %select_n3A = arith.select %eq3A_18, %iota3A, %broadcast_in_dim3A_19 : vector<2048x8xi1>, vector<2048x8xi32>
    %reduce_min3A = arith.constant dense<2147483647> : vector<2048xi32>
    %reduce_min3A_20 = vector.multi_reduction <minsi>, %select_n3A, %reduce_min3A [1] : vector<2048x8xi32> to vector<2048xi32>
    %broadcast_in_dim3A_21 = vector.shape_cast %reduce_min3A_20 : vector<2048xi32> to vector<2048x1xi32>
    %eq3A_22 = vector.broadcast %broadcast_in_dim3A_21 : vector<2048x1xi32> to vector<2048x8xi32>
    %eq3A_23 = arith.cmpi eq, %iota3A, %eq3A_22 : vector<2048x8xi32>
    %convert_element_type3A = arith.extui %eq3A_23 : vector<2048x8xi1> to vector<2048x8xi32>
    %convert_element_type3A_24 = arith.sitofp %convert_element_type3A : vector<2048x8xi32> to vector<2048x8xf32>
    %mul3A = arith.mulf %div3A_14, %convert_element_type3A_24 : vector<2048x8xf32>
    %reduce_sum3A_25 = arith.constant dense<0.000000e+00> : vector<8xf32>
    %reduce_sum3A_26 = vector.multi_reduction <add>, %mul3A, %reduce_sum3A_25 [0] : vector<2048x8xf32> to vector<8xf32>
    %broadcast_in_dim3A_27 = vector.shape_cast %reduce_sum3A_26 : vector<8xf32> to vector<1x8xf32>
    %add3A_28 = arith.constant 9.99999997E-7 : f32
    %add3A_29 = vector.broadcast %add3A_28 : f32 to vector<1x8xf32>
    %add3A_30 = arith.addf %broadcast_in_dim3A_27, %add3A_29 : vector<1x8xf32>
    %div3A_31 = vector.broadcast %add3A_30 : vector<1x8xf32> to vector<2048x8xf32>
    %div3A_32 = arith.divf %convert_element_type3A_24, %div3A_31 : vector<2048x8xf32>
    %reduce_sum3A_33 = arith.constant dense<0.000000e+00> : vector<2048xf32>
    %reduce_sum3A_34 = vector.multi_reduction <add>, %div3A_32, %reduce_sum3A_33 [1] : vector<2048x8xf32> to vector<2048xf32>
    %broadcast_in_dim3A_35 = vector.shape_cast %reduce_sum3A_34 : vector<2048xf32> to vector<2048x1xf32>
    %mul3A_36 = arith.mulf %broadcast_in_dim3A_17, %broadcast_in_dim3A_35 : vector<2048x1xf32>
    %mul3A_37 = arith.constant 2.048000e+03 : f32
    %mul3A_38 = vector.broadcast %mul3A_37 : f32 to vector<2048x1xf32>
    %mul3A_39 = arith.mulf %mul3A_36, %mul3A_38 : vector<2048x1xf32>
    %broadcast_in_dim3A_40 = vector.shape_cast %mul3A_39 : vector<2048x1xf32> to vector<2048x1xf32>
    %broadcast_in_dim3A_41 = vector.broadcast %broadcast_in_dim3A_40 : vector<2048x1xf32> to vector<2048x128xf32>
    %swap3A = arith.constant 0 : index
    %swap3A_42 = arith.constant 0 : index
    %swap3A_43 = vector.load %arg4[%swap3A, %swap3A_42] : memref<2048x128xf32, #tpu.memory_space<vmem>>, vector<2048x128xf32>
    tpu.vector_store %arg4[%swap3A, %swap3A_42], %broadcast_in_dim3A_41 {strides = array<i32>} : memref<2048x128xf32, #tpu.memory_space<vmem>>, vector<2048x128xf32>,
    %div3A_44 = arith.divf %broadcast_in_dim3A_27, %add3A_30 : vector<1x8xf32>
    %mul3A_45 = arith.constant 2.048000e+03 : f32
    %mul3A_46 = vector.broadcast %mul3A_45 : f32 to vector<1x8xf32>
    %mul3A_47 = arith.mulf %div3A_44, %mul3A_46 : vector<1x8xf32>
    %reduce_sum3A_48 = vector.shape_cast %mul3A_47 : vector<1x8xf32> to vector<1x1x8xf32>
    %reduce_sum3A_49 = arith.constant dense<0.000000e+00> : vector<1xf32>
    %reduce_sum3A_50 = vector.multi_reduction <add>, %reduce_sum3A_48, %reduce_sum3A_49 [1, 2] : vector<1x1x8xf32> to vector<1xf32>
    %reduce_sum3A_51 = vector.shape_cast %reduce_sum3A_50 : vector<1xf32> to vector<1x1x1xf32>
    %reduce_sum3A_52 = vector.extract %reduce_sum3A_51[0, 0, 0] : f32 from vector<1x1x1xf32>
    %div3A_53 = arith.constant 2.048000e+03 : f32
    %div3A_54 = arith.divf %reduce_sum3A_52, %div3A_53 : f32
    %sub3A_55 = vector.broadcast %div3A_54 : f32 to vector<1x8xf32>
    %sub3A_56 = arith.subf %mul3A_47, %sub3A_55 : vector<1x8xf32>
    %integer_pow3A = arith.mulf %sub3A_56, %sub3A_56 : vector<1x8xf32>
    %reduce_sum3A_57 = vector.shape_cast %integer_pow3A : vector<1x8xf32> to vector<1x1x8xf32>
    %reduce_sum3A_58 = arith.constant dense<0.000000e+00> : vector<1xf32>
    %reduce_sum3A_59 = vector.multi_reduction <add>, %reduce_sum3A_57, %reduce_sum3A_58 [1, 2] : vector<1x1x8xf32> to vector<1xf32>
    %reduce_sum3A_60 = vector.shape_cast %reduce_sum3A_59 : vector<1xf32> to vector<1x1x1xf32>
    %reduce_sum3A_61 = vector.extract %reduce_sum3A_60[0, 0, 0] : f32 from vector<1x1x1xf32>
    %div3A_62 = arith.constant 8.000000e+00 : f32
    %div3A_63 = arith.divf %reduce_sum3A_61, %div3A_62 : f32
    %broadcast_in_dim3A_64 = vector.broadcast %div3A_63 : f32 to vector<1x1xf32>
    %swap3A_65 = arith.constant 0 : index
    %swap3A_66 = arith.constant 0 : index
    %swap3A_67 = vector.load %arg6[%swap3A_65, %swap3A_66] : memref<1x1xf32, #tpu.memory_space<vmem>>, vector<1x1xf32>
    tpu.vector_store %arg6[%swap3A_65, %swap3A_66], %broadcast_in_dim3A_64 {strides = array<i32>} : memref<1x1xf32, #tpu.memory_space<vmem>>, vector<1x1xf32>,
    %reshape3A = vector.shape_cast %convert_element_type3A_24 : vector<2048x8xf32> to vector<16x128x8xf32>
    %reduce_sum3A_68 = arith.constant dense<0.000000e+00> : vector<16x8xf32>
    %reduce_sum3A_69 = vector.multi_reduction <add>, %reshape3A, %reduce_sum3A_68 [1] : vector<16x128x8xf32> to vector<16x8xf32>
    %iota3A_70 = tpu.iota {dimensions = array<i32: 0>} : vector<16x16xi32>
    %iota3A_71 = tpu.iota {dimensions = array<i32: 1>} : vector<16x16xi32>
    %lt3A = arith.cmpi slt, %iota3A_70, %iota3A_71 : vector<16x16xi32>
    %jit3A_72 = arith.constant 1.000000e+00 : f32
    %jit3A_73 = arith.constant 0.000000e+00 : f32
    %broadcast_in_dim3A_74 = vector.broadcast %jit3A_72 : f32 to vector<16x16xf32>
    %broadcast_in_dim3A_75 = vector.broadcast %jit3A_73 : f32 to vector<16x16xf32>
    %select_n3A_76 = arith.select %lt3A, %broadcast_in_dim3A_74, %broadcast_in_dim3A_75 : vector<16x16xi1>, vector<16x16xf32>
    %dot_general3A_77 = arith.constant dense<0.000000e+00> : vector<16x8xf32>
    %dot_general3A_78 = tpu.matmul %select_n3A_76, %reduce_sum3A_69, %dot_general3A_77 {dimension_numbers = #tpu.dot_dimension_numbers<[0], [0], [1], [1], [0, 1, 1, 1], [], []>, transpose_lhs_hint = false} : vector<16x16xf32>, vector<16x8xf32>, vector<16x8xf32> -> vector<16x8xf32>
    %iota3A_79 = tpu.iota {dimensions = array<i32: 0>} : vector<128x128xi32>
    %iota3A_80 = tpu.iota {dimensions = array<i32: 1>} : vector<128x128xi32>
    %gt3A = arith.cmpi sgt, %iota3A_79, %iota3A_80 : vector<128x128xi32>
    %jit3A_81 = arith.constant 1.000000e+00 : f32
    %jit3A_82 = arith.constant 0.000000e+00 : f32
    %broadcast_in_dim3A_83 = vector.broadcast %jit3A_81 : f32 to vector<128x128xf32>
    %broadcast_in_dim3A_84 = vector.broadcast %jit3A_82 : f32 to vector<128x128xf32>
    %select_n3A_85 = arith.select %gt3A, %broadcast_in_dim3A_83, %broadcast_in_dim3A_84 : vector<128x128xi1>, vector<128x128xf32>
    %convert_element_type3A_86 = arith.truncf %select_n3A_85 : vector<128x128xf32> to vector<128x128xbf16>
    %slice3A = vector.extract_strided_slice %reshape3A {offsets = [0, 0, 0], sizes = [1, 128, 8], strides = [1, 1, 1]} : vector<16x128x8xf32> to vector<1x128x8xf32>
    %squeeze3A = vector.shape_cast %slice3A : vector<1x128x8xf32> to vector<128x8xf32>
    %convert_element_type3A_87 = arith.truncf %squeeze3A : vector<128x8xf32> to vector<128x8xbf16>
    %dot_general3A_88 = arith.constant dense<0.000000e+00> : vector<128x8xf32>
    %dot_general3A_89 = tpu.matmul %convert_element_type3A_86, %convert_element_type3A_87, %dot_general3A_88 {dimension_numbers = #tpu.dot_dimension_numbers<[1], [0], [0], [1], [0, 0, 1, 1], [], []>, transpose_lhs_hint = false} : vector<128x128xbf16>, vector<128x8xbf16>, vector<128x8xf32> -> vector<128x8xf32>
    %slice3A_90 = vector.extract_strided_slice %dot_general3A_78 {offsets = [0, 0], sizes = [1, 8], strides = [1, 1]} : vector<16x8xf32> to vector<1x8xf32>
    %add3A_91 = vector.broadcast %slice3A_90 : vector<1x8xf32> to vector<128x8xf32>
    %add3A_92 = arith.addf %dot_general3A_89, %add3A_91 : vector<128x8xf32>
    %slice3A_93 = vector.extract_strided_slice %reshape3A {offsets = [1, 0, 0], sizes = [1, 128, 8], strides = [1, 1, 1]} : vector<16x128x8xf32> to vector<1x128x8xf32>
    %squeeze3A_94 = vector.shape_cast %slice3A_93 : vector<1x128x8xf32> to vector<128x8xf32>
    %convert_element_type3A_95 = arith.truncf %squeeze3A_94 : vector<128x8xf32> to vector<128x8xbf16>
    %dot_general3A_96 = arith.constant dense<0.000000e+00> : vector<128x8xf32>
    %dot_general3A_97 = tpu.matmul %convert_element_type3A_86, %convert_element_type3A_95, %dot_general3A_96 {dimension_numbers = #tpu.dot_dimension_numbers<[1], [0], [0], [1], [0, 0, 1, 1], [], []>, transpose_lhs_hint = false} : vector<128x128xbf16>, vector<128x8xbf16>, vector<128x8xf32> -> vector<128x8xf32>
    %slice3A_98 = vector.extract_strided_slice %dot_general3A_78 {offsets = [1, 0], sizes = [1, 8], strides = [1, 1]} : vector<16x8xf32> to vector<1x8xf32>
    %add3A_99 = vector.broadcast %slice3A_98 : vector<1x8xf32> to vector<128x8xf32>
    %add3A_100 = arith.addf %dot_general3A_97, %add3A_99 : vector<128x8xf32>
    %slice3A_101 = vector.extract_strided_slice %reshape3A {offsets = [2, 0, 0], sizes = [1, 128, 8], strides = [1, 1, 1]} : vector<16x128x8xf32> to vector<1x128x8xf32>
    %squeeze3A_102 = vector.shape_cast %slice3A_101 : vector<1x128x8xf32> to vector<128x8xf32>
    %convert_element_type3A_103 = arith.truncf %squeeze3A_102 : vector<128x8xf32> to vector<128x8xbf16>
    %dot_general3A_104 = arith.constant dense<0.000000e+00> : vector<128x8xf32>
    %dot_general3A_105 = tpu.matmul %convert_element_type3A_86, %convert_element_type3A_103, %dot_general3A_104 {dimension_numbers = #tpu.dot_dimension_numbers<[1], [0], [0], [1], [0, 0, 1, 1], [], []>, transpose_lhs_hint = false} : vector<128x128xbf16>, vector<128x8xbf16>, vector<128x8xf32> -> vector<128x8xf32>
    %slice3A_106 = vector.extract_strided_slice %dot_general3A_78 {offsets = [2, 0], sizes = [1, 8], strides = [1, 1]} : vector<16x8xf32> to vector<1x8xf32>
    %add3A_107 = vector.broadcast %slice3A_106 : vector<1x8xf32> to vector<128x8xf32>
    %add3A_108 = arith.addf %dot_general3A_105, %add3A_107 : vector<128x8xf32>
    %slice3A_109 = vector.extract_strided_slice %reshape3A {offsets = [3, 0, 0], sizes = [1, 128, 8], strides = [1, 1, 1]} : vector<16x128x8xf32> to vector<1x128x8xf32>
    %squeeze3A_110 = vector.shape_cast %slice3A_109 : vector<1x128x8xf32> to vector<128x8xf32>
    %convert_element_type3A_111 = arith.truncf %squeeze3A_110 : vector<128x8xf32> to vector<128x8xbf16>
    %dot_general3A_112 = arith.constant dense<0.000000e+00> : vector<128x8xf32>
    %dot_general3A_113 = tpu.matmul %convert_element_type3A_86, %convert_element_type3A_111, %dot_general3A_112 {dimension_numbers = #tpu.dot_dimension_numbers<[1], [0], [0], [1], [0, 0, 1, 1], [], []>, transpose_lhs_hint = false} : vector<128x128xbf16>, vector<128x8xbf16>, vector<128x8xf32> -> vector<128x8xf32>
    %slice3A_114 = vector.extract_strided_slice %dot_general3A_78 {offsets = [3, 0], sizes = [1, 8], strides = [1, 1]} : vector<16x8xf32> to vector<1x8xf32>
    %add3A_115 = vector.broadcast %slice3A_114 : vector<1x8xf32> to vector<128x8xf32>
    %add3A_116 = arith.addf %dot_general3A_113, %add3A_115 : vector<128x8xf32>
    %slice3A_117 = vector.extract_strided_slice %reshape3A {offsets = [4, 0, 0], sizes = [1, 128, 8], strides = [1, 1, 1]} : vector<16x128x8xf32> to vector<1x128x8xf32>
    %squeeze3A_118 = vector.shape_cast %slice3A_117 : vector<1x128x8xf32> to vector<128x8xf32>
    %convert_element_type3A_119 = arith.truncf %squeeze3A_118 : vector<128x8xf32> to vector<128x8xbf16>
    %dot_general3A_120 = arith.constant dense<0.000000e+00> : vector<128x8xf32>
    %dot_general3A_121 = tpu.matmul %convert_element_type3A_86, %convert_element_type3A_119, %dot_general3A_120 {dimension_numbers = #tpu.dot_dimension_numbers<[1], [0], [0], [1], [0, 0, 1, 1], [], []>, transpose_lhs_hint = false} : vector<128x128xbf16>, vector<128x8xbf16>, vector<128x8xf32> -> vector<128x8xf32>
    %slice3A_122 = vector.extract_strided_slice %dot_general3A_78 {offsets = [4, 0], sizes = [1, 8], strides = [1, 1]} : vector<16x8xf32> to vector<1x8xf32>
    %add3A_123 = vector.broadcast %slice3A_122 : vector<1x8xf32> to vector<128x8xf32>
    %add3A_124 = arith.addf %dot_general3A_121, %add3A_123 : vector<128x8xf32>
    %slice3A_125 = vector.extract_strided_slice %reshape3A {offsets = [5, 0, 0], sizes = [1, 128, 8], strides = [1, 1, 1]} : vector<16x128x8xf32> to vector<1x128x8xf32>
    %squeeze3A_126 = vector.shape_cast %slice3A_125 : vector<1x128x8xf32> to vector<128x8xf32>
    %convert_element_type3A_127 = arith.truncf %squeeze3A_126 : vector<128x8xf32> to vector<128x8xbf16>
    %dot_general3A_128 = arith.constant dense<0.000000e+00> : vector<128x8xf32>
    %dot_general3A_129 = tpu.matmul %convert_element_type3A_86, %convert_element_type3A_127, %dot_general3A_128 {dimension_numbers = #tpu.dot_dimension_numbers<[1], [0], [0], [1], [0, 0, 1, 1], [], []>, transpose_lhs_hint = false} : vector<128x128xbf16>, vector<128x8xbf16>, vector<128x8xf32> -> vector<128x8xf32>
    %slice3A_130 = vector.extract_strided_slice %dot_general3A_78 {offsets = [5, 0], sizes = [1, 8], strides = [1, 1]} : vector<16x8xf32> to vector<1x8xf32>
    %add3A_131 = vector.broadcast %slice3A_130 : vector<1x8xf32> to vector<128x8xf32>
    %add3A_132 = arith.addf %dot_general3A_129, %add3A_131 : vector<128x8xf32>
    %slice3A_133 = vector.extract_strided_slice %reshape3A {offsets = [6, 0, 0], sizes = [1, 128, 8], strides = [1, 1, 1]} : vector<16x128x8xf32> to vector<1x128x8xf32>
    %squeeze3A_134 = vector.shape_cast %slice3A_133 : vector<1x128x8xf32> to vector<128x8xf32>
    %convert_element_type3A_135 = arith.truncf %squeeze3A_134 : vector<128x8xf32> to vector<128x8xbf16>
    %dot_general3A_136 = arith.constant dense<0.000000e+00> : vector<128x8xf32>
    %dot_general3A_137 = tpu.matmul %convert_element_type3A_86, %convert_element_type3A_135, %dot_general3A_136 {dimension_numbers = #tpu.dot_dimension_numbers<[1], [0], [0], [1], [0, 0, 1, 1], [], []>, transpose_lhs_hint = false} : vector<128x128xbf16>, vector<128x8xbf16>, vector<128x8xf32> -> vector<128x8xf32>
    %slice3A_138 = vector.extract_strided_slice %dot_general3A_78 {offsets = [6, 0], sizes = [1, 8], strides = [1, 1]} : vector<16x8xf32> to vector<1x8xf32>
    %add3A_139 = vector.broadcast %slice3A_138 : vector<1x8xf32> to vector<128x8xf32>
    %add3A_140 = arith.addf %dot_general3A_137, %add3A_139 : vector<128x8xf32>
    %slice3A_141 = vector.extract_strided_slice %reshape3A {offsets = [7, 0, 0], sizes = [1, 128, 8], strides = [1, 1, 1]} : vector<16x128x8xf32> to vector<1x128x8xf32>
    %squeeze3A_142 = vector.shape_cast %slice3A_141 : vector<1x128x8xf32> to vector<128x8xf32>
    %convert_element_type3A_143 = arith.truncf %squeeze3A_142 : vector<128x8xf32> to vector<128x8xbf16>
    %dot_general3A_144 = arith.constant dense<0.000000e+00> : vector<128x8xf32>
    %dot_general3A_145 = tpu.matmul %convert_element_type3A_86, %convert_element_type3A_143, %dot_general3A_144 {dimension_numbers = #tpu.dot_dimension_numbers<[1], [0], [0], [1], [0, 0, 1, 1], [], []>, transpose_lhs_hint = false} : vector<128x128xbf16>, vector<128x8xbf16>, vector<128x8xf32> -> vector<128x8xf32>
    %slice3A_146 = vector.extract_strided_slice %dot_general3A_78 {offsets = [7, 0], sizes = [1, 8], strides = [1, 1]} : vector<16x8xf32> to vector<1x8xf32>
    %add3A_147 = vector.broadcast %slice3A_146 : vector<1x8xf32> to vector<128x8xf32>
    %add3A_148 = arith.addf %dot_general3A_145, %add3A_147 : vector<128x8xf32>
    %slice3A_149 = vector.extract_strided_slice %reshape3A {offsets = [8, 0, 0], sizes = [1, 128, 8], strides = [1, 1, 1]} : vector<16x128x8xf32> to vector<1x128x8xf32>
    %squeeze3A_150 = vector.shape_cast %slice3A_149 : vector<1x128x8xf32> to vector<128x8xf32>
    %convert_element_type3A_151 = arith.truncf %squeeze3A_150 : vector<128x8xf32> to vector<128x8xbf16>
    %dot_general3A_152 = arith.constant dense<0.000000e+00> : vector<128x8xf32>
    %dot_general3A_153 = tpu.matmul %convert_element_type3A_86, %convert_element_type3A_151, %dot_general3A_152 {dimension_numbers = #tpu.dot_dimension_numbers<[1], [0], [0], [1], [0, 0, 1, 1], [], []>, transpose_lhs_hint = false} : vector<128x128xbf16>, vector<128x8xbf16>, vector<128x8xf32> -> vector<128x8xf32>
    %slice3A_154 = vector.extract_strided_slice %dot_general3A_78 {offsets = [8, 0], sizes = [1, 8], strides = [1, 1]} : vector<16x8xf32> to vector<1x8xf32>
    %add3A_155 = vector.broadcast %slice3A_154 : vector<1x8xf32> to vector<128x8xf32>
    %add3A_156 = arith.addf %dot_general3A_153, %add3A_155 : vector<128x8xf32>
    %slice3A_157 = vector.extract_strided_slice %reshape3A {offsets = [9, 0, 0], sizes = [1, 128, 8], strides = [1, 1, 1]} : vector<16x128x8xf32> to vector<1x128x8xf32>
    %squeeze3A_158 = vector.shape_cast %slice3A_157 : vector<1x128x8xf32> to vector<128x8xf32>
    %convert_element_type3A_159 = arith.truncf %squeeze3A_158 : vector<128x8xf32> to vector<128x8xbf16>
    %dot_general3A_160 = arith.constant dense<0.000000e+00> : vector<128x8xf32>
    %dot_general3A_161 = tpu.matmul %convert_element_type3A_86, %convert_element_type3A_159, %dot_general3A_160 {dimension_numbers = #tpu.dot_dimension_numbers<[1], [0], [0], [1], [0, 0, 1, 1], [], []>, transpose_lhs_hint = false} : vector<128x128xbf16>, vector<128x8xbf16>, vector<128x8xf32> -> vector<128x8xf32>
    %slice3A_162 = vector.extract_strided_slice %dot_general3A_78 {offsets = [9, 0], sizes = [1, 8], strides = [1, 1]} : vector<16x8xf32> to vector<1x8xf32>
    %add3A_163 = vector.broadcast %slice3A_162 : vector<1x8xf32> to vector<128x8xf32>
    %add3A_164 = arith.addf %dot_general3A_161, %add3A_163 : vector<128x8xf32>
    %slice3A_165 = vector.extract_strided_slice %reshape3A {offsets = [10, 0, 0], sizes = [1, 128, 8], strides = [1, 1, 1]} : vector<16x128x8xf32> to vector<1x128x8xf32>
    %squeeze3A_166 = vector.shape_cast %slice3A_165 : vector<1x128x8xf32> to vector<128x8xf32>
    %convert_element_type3A_167 = arith.truncf %squeeze3A_166 : vector<128x8xf32> to vector<128x8xbf16>
    %dot_general3A_168 = arith.constant dense<0.000000e+00> : vector<128x8xf32>
    %dot_general3A_169 = tpu.matmul %convert_element_type3A_86, %convert_element_type3A_167, %dot_general3A_168 {dimension_numbers = #tpu.dot_dimension_numbers<[1], [0], [0], [1], [0, 0, 1, 1], [], []>, transpose_lhs_hint = false} : vector<128x128xbf16>, vector<128x8xbf16>, vector<128x8xf32> -> vector<128x8xf32>
    %slice3A_170 = vector.extract_strided_slice %dot_general3A_78 {offsets = [10, 0], sizes = [1, 8], strides = [1, 1]} : vector<16x8xf32> to vector<1x8xf32>
    %add3A_171 = vector.broadcast %slice3A_170 : vector<1x8xf32> to vector<128x8xf32>
    %add3A_172 = arith.addf %dot_general3A_169, %add3A_171 : vector<128x8xf32>
    %slice3A_173 = vector.extract_strided_slice %reshape3A {offsets = [11, 0, 0], sizes = [1, 128, 8], strides = [1, 1, 1]} : vector<16x128x8xf32> to vector<1x128x8xf32>
    %squeeze3A_174 = vector.shape_cast %slice3A_173 : vector<1x128x8xf32> to vector<128x8xf32>
    %convert_element_type3A_175 = arith.truncf %squeeze3A_174 : vector<128x8xf32> to vector<128x8xbf16>
    %dot_general3A_176 = arith.constant dense<0.000000e+00> : vector<128x8xf32>
    %dot_general3A_177 = tpu.matmul %convert_element_type3A_86, %convert_element_type3A_175, %dot_general3A_176 {dimension_numbers = #tpu.dot_dimension_numbers<[1], [0], [0], [1], [0, 0, 1, 1], [], []>, transpose_lhs_hint = false} : vector<128x128xbf16>, vector<128x8xbf16>, vector<128x8xf32> -> vector<128x8xf32>
    %slice3A_178 = vector.extract_strided_slice %dot_general3A_78 {offsets = [11, 0], sizes = [1, 8], strides = [1, 1]} : vector<16x8xf32> to vector<1x8xf32>
    %add3A_179 = vector.broadcast %slice3A_178 : vector<1x8xf32> to vector<128x8xf32>
    %add3A_180 = arith.addf %dot_general3A_177, %add3A_179 : vector<128x8xf32>
    %slice3A_181 = vector.extract_strided_slice %reshape3A {offsets = [12, 0, 0], sizes = [1, 128, 8], strides = [1, 1, 1]} : vector<16x128x8xf32> to vector<1x128x8xf32>
    %squeeze3A_182 = vector.shape_cast %slice3A_181 : vector<1x128x8xf32> to vector<128x8xf32>
    %convert_element_type3A_183 = arith.truncf %squeeze3A_182 : vector<128x8xf32> to vector<128x8xbf16>
    %dot_general3A_184 = arith.constant dense<0.000000e+00> : vector<128x8xf32>
    %dot_general3A_185 = tpu.matmul %convert_element_type3A_86, %convert_element_type3A_183, %dot_general3A_184 {dimension_numbers = #tpu.dot_dimension_numbers<[1], [0], [0], [1], [0, 0, 1, 1], [], []>, transpose_lhs_hint = false} : vector<128x128xbf16>, vector<128x8xbf16>, vector<128x8xf32> -> vector<128x8xf32>
    %slice3A_186 = vector.extract_strided_slice %dot_general3A_78 {offsets = [12, 0], sizes = [1, 8], strides = [1, 1]} : vector<16x8xf32> to vector<1x8xf32>
    %add3A_187 = vector.broadcast %slice3A_186 : vector<1x8xf32> to vector<128x8xf32>
    %add3A_188 = arith.addf %dot_general3A_185, %add3A_187 : vector<128x8xf32>
    %slice3A_189 = vector.extract_strided_slice %reshape3A {offsets = [13, 0, 0], sizes = [1, 128, 8], strides = [1, 1, 1]} : vector<16x128x8xf32> to vector<1x128x8xf32>
    %squeeze3A_190 = vector.shape_cast %slice3A_189 : vector<1x128x8xf32> to vector<128x8xf32>
    %convert_element_type3A_191 = arith.truncf %squeeze3A_190 : vector<128x8xf32> to vector<128x8xbf16>
    %dot_general3A_192 = arith.constant dense<0.000000e+00> : vector<128x8xf32>
    %dot_general3A_193 = tpu.matmul %convert_element_type3A_86, %convert_element_type3A_191, %dot_general3A_192 {dimension_numbers = #tpu.dot_dimension_numbers<[1], [0], [0], [1], [0, 0, 1, 1], [], []>, transpose_lhs_hint = false} : vector<128x128xbf16>, vector<128x8xbf16>, vector<128x8xf32> -> vector<128x8xf32>
    %slice3A_194 = vector.extract_strided_slice %dot_general3A_78 {offsets = [13, 0], sizes = [1, 8], strides = [1, 1]} : vector<16x8xf32> to vector<1x8xf32>
    %add3A_195 = vector.broadcast %slice3A_194 : vector<1x8xf32> to vector<128x8xf32>
    %add3A_196 = arith.addf %dot_general3A_193, %add3A_195 : vector<128x8xf32>
    %slice3A_197 = vector.extract_strided_slice %reshape3A {offsets = [14, 0, 0], sizes = [1, 128, 8], strides = [1, 1, 1]} : vector<16x128x8xf32> to vector<1x128x8xf32>
    %squeeze3A_198 = vector.shape_cast %slice3A_197 : vector<1x128x8xf32> to vector<128x8xf32>
    %convert_element_type3A_199 = arith.truncf %squeeze3A_198 : vector<128x8xf32> to vector<128x8xbf16>
    %dot_general3A_200 = arith.constant dense<0.000000e+00> : vector<128x8xf32>
    %dot_general3A_201 = tpu.matmul %convert_element_type3A_86, %convert_element_type3A_199, %dot_general3A_200 {dimension_numbers = #tpu.dot_dimension_numbers<[1], [0], [0], [1], [0, 0, 1, 1], [], []>, transpose_lhs_hint = false} : vector<128x128xbf16>, vector<128x8xbf16>, vector<128x8xf32> -> vector<128x8xf32>
    %slice3A_202 = vector.extract_strided_slice %dot_general3A_78 {offsets = [14, 0], sizes = [1, 8], strides = [1, 1]} : vector<16x8xf32> to vector<1x8xf32>
    %add3A_203 = vector.broadcast %slice3A_202 : vector<1x8xf32> to vector<128x8xf32>
    %add3A_204 = arith.addf %dot_general3A_201, %add3A_203 : vector<128x8xf32>
    %slice3A_205 = vector.extract_strided_slice %reshape3A {offsets = [15, 0, 0], sizes = [1, 128, 8], strides = [1, 1, 1]} : vector<16x128x8xf32> to vector<1x128x8xf32>
    %squeeze3A_206 = vector.shape_cast %slice3A_205 : vector<1x128x8xf32> to vector<128x8xf32>
    %convert_element_type3A_207 = arith.truncf %squeeze3A_206 : vector<128x8xf32> to vector<128x8xbf16>
    %dot_general3A_208 = arith.constant dense<0.000000e+00> : vector<128x8xf32>
    %dot_general3A_209 = tpu.matmul %convert_element_type3A_86, %convert_element_type3A_207, %dot_general3A_208 {dimension_numbers = #tpu.dot_dimension_numbers<[1], [0], [0], [1], [0, 0, 1, 1], [], []>, transpose_lhs_hint = false} : vector<128x128xbf16>, vector<128x8xbf16>, vector<128x8xf32> -> vector<128x8xf32>
    %slice3A_210 = vector.extract_strided_slice %dot_general3A_78 {offsets = [15, 0], sizes = [1, 8], strides = [1, 1]} : vector<16x8xf32> to vector<1x8xf32>
    %add3A_211 = vector.broadcast %slice3A_210 : vector<1x8xf32> to vector<128x8xf32>
    %add3A_212 = arith.addf %dot_general3A_209, %add3A_211 : vector<128x8xf32>
    %concatenate3A = tpu.concatenate %add3A_92, %add3A_100, %add3A_108, %add3A_116, %add3A_124, %add3A_132, %add3A_140, %add3A_148, %add3A_156, %add3A_164, %add3A_172, %add3A_180, %add3A_188, %add3A_196, %add3A_204, %add3A_212 in 0 : vector<128x8xf32>, vector<128x8xf32>, vector<128x8xf32>, vector<128x8xf32>, vector<128x8xf32>, vector<128x8xf32>, vector<128x8xf32>, vector<128x8xf32>, vector<128x8xf32>, vector<128x8xf32>, vector<128x8xf32>, vector<128x8xf32>, vector<128x8xf32>, vector<128x8xf32>, vector<128x8xf32>, vector<128x8xf32> -> vector<2048x8xf32>
    %mul3A_213 = arith.mulf %concatenate3A, %convert_element_type3A_24 : vector<2048x8xf32>
    %reduce_sum3A_214 = arith.constant dense<0.000000e+00> : vector<2048xf32>
    %reduce_sum3A_215 = vector.multi_reduction <add>, %mul3A_213, %reduce_sum3A_214 [1] : vector<2048x8xf32> to vector<2048xf32>
    %broadcast_in_dim3A_216 = vector.shape_cast %reduce_sum3A_215 : vector<2048xf32> to vector<2048x1xf32>
    %reduce_sum3A_217 = arith.constant dense<0.000000e+00> : vector<8xf32>
    %reduce_sum3A_218 = vector.multi_reduction <add>, %convert_element_type3A_24, %reduce_sum3A_217 [0] : vector<2048x8xf32> to vector<8xf32>
    %broadcast_in_dim3A_219 = vector.shape_cast %reduce_sum3A_218 : vector<8xf32> to vector<1x8xf32>
    %add3A_220 = arith.constant 2.550000e+02 : f32
    %add3A_221 = vector.broadcast %add3A_220 : f32 to vector<1x8xf32>
    %add3A_222 = arith.addf %broadcast_in_dim3A_219, %add3A_221 : vector<1x8xf32>
    %mul3A_223 = arith.constant 3.906250e-03 : f32
    %mul3A_224 = vector.broadcast %mul3A_223 : f32 to vector<1x8xf32>
    %mul3A_225 = arith.mulf %add3A_222, %mul3A_224 : vector<1x8xf32>
    %floor3A = math.floor %mul3A_225 : vector<1x8xf32>
    %iota3A_226 = tpu.iota {dimensions = array<i32: 0>} : vector<8x8xi32>
    %iota3A_227 = tpu.iota {dimensions = array<i32: 1>} : vector<8x8xi32>
    %lt3A_228 = arith.cmpi slt, %iota3A_226, %iota3A_227 : vector<8x8xi32>
    %jit3A_229 = arith.constant 1.000000e+00 : f32
    %jit3A_230 = arith.constant 0.000000e+00 : f32
    %broadcast_in_dim3A_231 = vector.broadcast %jit3A_229 : f32 to vector<8x8xf32>
    %broadcast_in_dim3A_232 = vector.broadcast %jit3A_230 : f32 to vector<8x8xf32>
    %select_n3A_233 = arith.select %lt3A_228, %broadcast_in_dim3A_231, %broadcast_in_dim3A_232 : vector<8x8xi1>, vector<8x8xf32>
    %dot_general3A_234 = arith.constant dense<0.000000e+00> : vector<1x8xf32>
    %dot_general3A_235 = tpu.matmul %floor3A, %select_n3A_233, %dot_general3A_234 {dimension_numbers = #tpu.dot_dimension_numbers<[1], [0], [0], [1], [0, 0, 1, 1], [], []>, transpose_lhs_hint = false} : vector<1x8xf32>, vector<8x8xf32>, vector<1x8xf32> -> vector<1x8xf32>
    %mul3A_236 = arith.constant 2.560000e+02 : f32
    %mul3A_237 = vector.broadcast %mul3A_236 : f32 to vector<1x8xf32>
    %mul3A_238 = arith.mulf %dot_general3A_235, %mul3A_237 : vector<1x8xf32>
    %mul3A_239 = vector.broadcast %mul3A_238 : vector<1x8xf32> to vector<2048x8xf32>
    %mul3A_240 = arith.mulf %convert_element_type3A_24, %mul3A_239 : vector<2048x8xf32>
    %reduce_sum3A_241 = arith.constant dense<0.000000e+00> : vector<2048xf32>
    %reduce_sum3A_242 = vector.multi_reduction <add>, %mul3A_240, %reduce_sum3A_241 [1] : vector<2048x8xf32> to vector<2048xf32>
    %broadcast_in_dim3A_243 = vector.shape_cast %reduce_sum3A_242 : vector<2048xf32> to vector<2048x1xf32>
    %add3A_244 = arith.addf %broadcast_in_dim3A_243, %broadcast_in_dim3A_216 : vector<2048x1xf32>
    %convert_element_type3A_245 = arith.fptosi %add3A_244 : vector<2048x1xf32> to vector<2048x1xi32>
    %swap3A_246 = arith.constant 0 : index
    %swap3A_247 = arith.constant 0 : index
    %swap3A_248 = vector.load %arg3[%swap3A_246, %swap3A_247] : memref<2048x1xi32, #tpu.memory_space<vmem>>, vector<2048x1xi32>
    tpu.vector_store %arg3[%swap3A_246, %swap3A_247], %convert_element_type3A_245 {strides = array<i32>} : memref<2048x1xi32, #tpu.memory_space<vmem>>, vector<2048x1xi32>,
    %concatenate3A_249 = tpu.concatenate %dot_general3A_235, %floor3A in 0 : vector<1x8xf32>, vector<1x8xf32> -> vector<2x8xf32>
    %convert_element_type3A_250 = arith.fptosi %concatenate3A_249 : vector<2x8xf32> to vector<2x8xi32>
    %swap3A_251 = arith.constant 0 : index
    %swap3A_252 = arith.constant 0 : index
    %swap3A_253 = vector.load %arg5[%swap3A_251, %swap3A_252] : memref<2x8xi32, #tpu.memory_space<vmem>>, vector<2x8xi32>
    tpu.vector_store %arg5[%swap3A_251, %swap3A_252], %convert_element_type3A_250 {strides = array<i32>} : memref<2x8xi32, #tpu.memory_space<vmem>>, vector<2x8xi32>,
    return
  }
}

module attributes {stable_mosaic.version = 14 : i64} {
  func.func @_ffn_body(%arg0: i32, %arg1: i32, %arg2: memref<2x8xi32, #tpu.memory_space<smem>>, %arg3: memref<3840x768xf32, #tpu.memory_space<vmem>>, %arg4: memref<3840x128xf32, #tpu.memory_space<vmem>>, %arg5: memref<1536x768xf32, #tpu.memory_space<vmem>>, %arg6: memref<1x1x1536xf32, #tpu.memory_space<vmem>>, %arg7: memref<768x1536xf32, #tpu.memory_space<vmem>>, %arg8: memref<1x1x768xf32, #tpu.memory_space<vmem>>, %arg9: memref<3840x768xf32, #tpu.memory_space<vmem>>) attributes {dimension_semantics = [#tpu.dimension_semantics<arbitrary>, #tpu.dimension_semantics<arbitrary>], iteration_bounds = array<i64: 8, 2>, scalar_prefetch = 1 : i64, scratch_operands = 0 : i64, tpu.core_type = #tpu.core_type<tc>, window_params = [{pipeline_mode = #tpu.pipeline_mode<synchronous>, transform_indices = @transform_0, window_bounds = array<i64: 3840, 768>}, {pipeline_mode = #tpu.pipeline_mode<synchronous>, transform_indices = @transform_1, window_bounds = array<i64: 3840, 128>}, {transform_indices = @transform_2, window_bounds = array<i64: 1536, 768>}, {transform_indices = @transform_3, window_bounds = array<i64: 1, 1, 1536>}, {transform_indices = @transform_4, window_bounds = array<i64: 768, 1536>}, {transform_indices = @transform_5, window_bounds = array<i64: 1, 1, 768>}, {pipeline_mode = #tpu.pipeline_mode<synchronous>, transform_indices = @transform_6, window_bounds = array<i64: 3840, 768>}]} {
    %get3A = arith.constant 0 : index
    %get3A_0 = arith.index_cast %arg0 : i32 to index
    %get3A_1 = memref.load %arg2[%get3A, %get3A_0] : memref<2x8xi32, #tpu.memory_space<smem>>
    %get3A_2 = arith.constant 1 : index
    %get3A_3 = arith.index_cast %arg0 : i32 to index
    %get3A_4 = memref.load %arg2[%get3A_2, %get3A_3] : memref<2x8xi32, #tpu.memory_space<smem>>
    %jit3A = arith.constant 2 : i32
    %div3A = arith.divsi %get3A_4, %jit3A : i32
    %sign3A = arith.constant 0 : i32
    %sign3A_5 = arith.cmpi sgt, %get3A_4, %sign3A : i32
    %sign3A_6 = arith.extui %sign3A_5 : i1 to i32
    %sign3A_7 = arith.constant 0 : i32
    %sign3A_8 = arith.cmpi slt, %get3A_4, %sign3A_7 : i32
    %sign3A_9 = arith.extui %sign3A_8 : i1 to i32
    %sign3A_10 = arith.subi %sign3A_6, %sign3A_9 : i32
    %sign3A_11 = arith.constant 0 : i32
    %sign3A_12 = arith.cmpi sgt, %jit3A, %sign3A_11 : i32
    %sign3A_13 = arith.extui %sign3A_12 : i1 to i32
    %sign3A_14 = arith.constant 0 : i32
    %sign3A_15 = arith.cmpi slt, %jit3A, %sign3A_14 : i32
    %sign3A_16 = arith.extui %sign3A_15 : i1 to i32
    %sign3A_17 = arith.subi %sign3A_13, %sign3A_16 : i32
    %ne3A = arith.cmpi ne, %sign3A_10, %sign3A_17 : i32
    %rem3A = arith.remsi %get3A_4, %jit3A : i32
    %ne3A_18 = arith.constant 0 : i32
    %ne3A_19 = arith.cmpi ne, %rem3A, %ne3A_18 : i32
    %and3A = arith.andi %ne3A, %ne3A_19 : i1
    %sub3A = arith.constant 1 : i32
    %sub3A_20 = arith.subi %div3A, %sub3A : i32
    %select_n3A = arith.select %and3A, %sub3A_20, %div3A : i32
    %while3A = arith.constant 0 : i32
    %while3A_21 = arith.constant 0 : i32
    %while3A_22 = arith.subi %select_n3A, %while3A_21 : i32
    %while3A_23 = arith.addi %while3A_21, %while3A_22 : i32
    %while3A_24 = arith.constant 1 : i32
    %while3A_25 = arith.divsi %while3A_22, %while3A_24 : i32
    %while3A_26 = arith.muli %while3A_25, %while3A_24 : i32
    %while3A_27 = arith.addi %while3A_21, %while3A_26 : i32
    %while3A_28 = arith.constant 1 : i32
    scf.for %while3A_46 = %while3A_21 to %while3A_27 step %while3A_28  : i32 {
      %mul3A = arith.constant 256 : i32
      %mul3A_47 = arith.muli %get3A_1, %mul3A : i32
      %mul3A_48 = arith.constant 512 : i32
      %mul3A_49 = arith.muli %while3A_46, %mul3A_48 : i32
      %add3A_50 = arith.addi %mul3A_47, %mul3A_49 : i32
      %get3A_51 = arith.index_cast %add3A_50 : i32 to index
      %get3A_52 = arith.constant 0 : index
      %get3A_53 = vector.load %arg3[%get3A_51, %get3A_52] : memref<3840x768xf32, #tpu.memory_space<vmem>>, vector<512x768xf32>
      %get3A_54 = arith.constant 0 : index
      %get3A_55 = arith.constant 0 : index
      %get3A_56 = vector.load %arg5[%get3A_54, %get3A_55] : memref<1536x768xf32, #tpu.memory_space<vmem>>, vector<1536x768xf32>
      %dot_general3A = arith.constant dense<0.000000e+00> : vector<512x1536xf32>
      %dot_general3A_57 = tpu.matmul %get3A_53, %get3A_56, %dot_general3A {dimension_numbers = #tpu.dot_dimension_numbers<[1], [1], [0], [0], [0, 0, 1, 0], [], []>, transpose_lhs_hint = false} : vector<512x768xf32>, vector<1536x768xf32>, vector<512x1536xf32> -> vector<512x1536xf32>
      %get3A_58 = arith.constant 0 : index
      %get3A_59 = arith.constant 0 : index
      %get3A_60 = arith.constant 0 : index
      %get3A_61 = vector.load %arg6[%get3A_58, %get3A_59, %get3A_60] : memref<1x1x1536xf32, #tpu.memory_space<vmem>>, vector<1x1x1536xf32>
      %get3A_62 = vector.shape_cast %get3A_61 : vector<1x1x1536xf32> to vector<1x1536xf32>
      %add3A_63 = vector.broadcast %get3A_62 : vector<1x1536xf32> to vector<512x1536xf32>
      %add3A_64 = arith.addf %dot_general3A_57, %add3A_63 : vector<512x1536xf32>
      %mul3A_65 = arith.constant 1.702000e+00 : f32
      %mul3A_66 = vector.broadcast %mul3A_65 : f32 to vector<512x1536xf32>
      %mul3A_67 = arith.mulf %mul3A_66, %add3A_64 : vector<512x1536xf32>
      %logistic3A = arith.negf %mul3A_67 : vector<512x1536xf32>
      %logistic3A_68 = math.exp %logistic3A : vector<512x1536xf32>
      %logistic3A_69 = arith.constant 1.000000e+00 : f32
      %logistic3A_70 = vector.broadcast %logistic3A_69 : f32 to vector<512x1536xf32>
      %logistic3A_71 = arith.addf %logistic3A_70, %logistic3A_68 : vector<512x1536xf32>
      %logistic3A_72 = arith.divf %logistic3A_70, %logistic3A_71 : vector<512x1536xf32>
      %mul3A_73 = arith.mulf %add3A_64, %logistic3A_72 : vector<512x1536xf32>
      %get3A_74 = arith.constant 0 : index
      %get3A_75 = arith.constant 0 : index
      %get3A_76 = vector.load %arg7[%get3A_74, %get3A_75] : memref<768x1536xf32, #tpu.memory_space<vmem>>, vector<768x1536xf32>
      %dot_general3A_77 = arith.constant dense<0.000000e+00> : vector<512x768xf32>
      %dot_general3A_78 = tpu.matmul %mul3A_73, %get3A_76, %dot_general3A_77 {dimension_numbers = #tpu.dot_dimension_numbers<[1], [1], [0], [0], [0, 0, 1, 0], [], []>, transpose_lhs_hint = false} : vector<512x1536xf32>, vector<768x1536xf32>, vector<512x768xf32> -> vector<512x768xf32>
      %eq3A_79 = arith.constant 0 : i32
      %eq3A_80 = arith.cmpi eq, %arg1, %eq3A_79 : i32
      %convert_element_type3A_81 = arith.extui %eq3A_80 : i1 to i32
      %cond3A_82 = arith.constant 0 : i32
      %cond3A_83 = arith.cmpi ne, %convert_element_type3A_81, %cond3A_82 : i32
      scf.if %cond3A_83 {
        %swap3A = arith.index_cast %add3A_50 : i32 to index
        %swap3A_89 = arith.constant 0 : index
        %swap3A_90 = vector.load %arg9[%swap3A, %swap3A_89] : memref<3840x768xf32, #tpu.memory_space<vmem>>, vector<512x768xf32>
        tpu.vector_store %arg9[%swap3A, %swap3A_89], %dot_general3A_78 {strides = array<i32>} : memref<3840x768xf32, #tpu.memory_space<vmem>>, vector<512x768xf32>,
      } else {
      }
      %eq3A_84 = arith.constant 1 : i32
      %eq3A_85 = arith.cmpi eq, %arg1, %eq3A_84 : i32
      %convert_element_type3A_86 = arith.extui %eq3A_85 : i1 to i32
      %cond3A_87 = arith.constant 0 : i32
      %cond3A_88 = arith.cmpi ne, %convert_element_type3A_86, %cond3A_87 : i32
      scf.if %cond3A_88 {
        %get3A_89 = arith.index_cast %add3A_50 : i32 to index
        %get3A_90 = arith.constant 0 : index
        %get3A_91 = vector.load %arg9[%get3A_89, %get3A_90] : memref<3840x768xf32, #tpu.memory_space<vmem>>, vector<512x768xf32>
        %add3A_92 = arith.addf %get3A_91, %dot_general3A_78 : vector<512x768xf32>
        %get3A_93 = arith.constant 0 : index
        %get3A_94 = arith.constant 0 : index
        %get3A_95 = arith.constant 0 : index
        %get3A_96 = vector.load %arg8[%get3A_93, %get3A_94, %get3A_95] : memref<1x1x768xf32, #tpu.memory_space<vmem>>, vector<1x1x768xf32>
        %get3A_97 = vector.shape_cast %get3A_96 : vector<1x1x768xf32> to vector<1x768xf32>
        %add3A_98 = vector.broadcast %get3A_97 : vector<1x768xf32> to vector<512x768xf32>
        %add3A_99 = arith.addf %add3A_92, %add3A_98 : vector<512x768xf32>
        %get3A_100 = arith.index_cast %add3A_50 : i32 to index
        %get3A_101 = arith.constant 0 : index
        %get3A_102 = vector.load %arg4[%get3A_100, %get3A_101] : memref<3840x128xf32, #tpu.memory_space<vmem>>, vector<512x1xf32>
        %mul3A_103 = vector.broadcast %get3A_102 : vector<512x1xf32> to vector<512x768xf32>
        %mul3A_104 = arith.mulf %add3A_99, %mul3A_103 : vector<512x768xf32>
        %swap3A = arith.index_cast %add3A_50 : i32 to index
        %swap3A_105 = arith.constant 0 : index
        %swap3A_106 = vector.load %arg9[%swap3A, %swap3A_105] : memref<3840x768xf32, #tpu.memory_space<vmem>>, vector<512x768xf32>
        tpu.vector_store %arg9[%swap3A, %swap3A_105], %mul3A_104 {strides = array<i32>} : memref<3840x768xf32, #tpu.memory_space<vmem>>, vector<512x768xf32>,
      } else {
      }
    }
    %while3A_29 = arith.constant 1 : i32
    scf.for %while3A_46 = %while3A_27 to %while3A_23 step %while3A_29  : i32 {
      %mul3A = arith.constant 256 : i32
      %mul3A_47 = arith.muli %get3A_1, %mul3A : i32
      %mul3A_48 = arith.constant 512 : i32
      %mul3A_49 = arith.muli %while3A_46, %mul3A_48 : i32
      %add3A_50 = arith.addi %mul3A_47, %mul3A_49 : i32
      %get3A_51 = arith.index_cast %add3A_50 : i32 to index
      %get3A_52 = arith.constant 0 : index
      %get3A_53 = vector.load %arg3[%get3A_51, %get3A_52] : memref<3840x768xf32, #tpu.memory_space<vmem>>, vector<512x768xf32>
      %get3A_54 = arith.constant 0 : index
      %get3A_55 = arith.constant 0 : index
      %get3A_56 = vector.load %arg5[%get3A_54, %get3A_55] : memref<1536x768xf32, #tpu.memory_space<vmem>>, vector<1536x768xf32>
      %dot_general3A = arith.constant dense<0.000000e+00> : vector<512x1536xf32>
      %dot_general3A_57 = tpu.matmul %get3A_53, %get3A_56, %dot_general3A {dimension_numbers = #tpu.dot_dimension_numbers<[1], [1], [0], [0], [0, 0, 1, 0], [], []>, transpose_lhs_hint = false} : vector<512x768xf32>, vector<1536x768xf32>, vector<512x1536xf32> -> vector<512x1536xf32>
      %get3A_58 = arith.constant 0 : index
      %get3A_59 = arith.constant 0 : index
      %get3A_60 = arith.constant 0 : index
      %get3A_61 = vector.load %arg6[%get3A_58, %get3A_59, %get3A_60] : memref<1x1x1536xf32, #tpu.memory_space<vmem>>, vector<1x1x1536xf32>
      %get3A_62 = vector.shape_cast %get3A_61 : vector<1x1x1536xf32> to vector<1x1536xf32>
      %add3A_63 = vector.broadcast %get3A_62 : vector<1x1536xf32> to vector<512x1536xf32>
      %add3A_64 = arith.addf %dot_general3A_57, %add3A_63 : vector<512x1536xf32>
      %mul3A_65 = arith.constant 1.702000e+00 : f32
      %mul3A_66 = vector.broadcast %mul3A_65 : f32 to vector<512x1536xf32>
      %mul3A_67 = arith.mulf %mul3A_66, %add3A_64 : vector<512x1536xf32>
      %logistic3A = arith.negf %mul3A_67 : vector<512x1536xf32>
      %logistic3A_68 = math.exp %logistic3A : vector<512x1536xf32>
      %logistic3A_69 = arith.constant 1.000000e+00 : f32
      %logistic3A_70 = vector.broadcast %logistic3A_69 : f32 to vector<512x1536xf32>
      %logistic3A_71 = arith.addf %logistic3A_70, %logistic3A_68 : vector<512x1536xf32>
      %logistic3A_72 = arith.divf %logistic3A_70, %logistic3A_71 : vector<512x1536xf32>
      %mul3A_73 = arith.mulf %add3A_64, %logistic3A_72 : vector<512x1536xf32>
      %get3A_74 = arith.constant 0 : index
      %get3A_75 = arith.constant 0 : index
      %get3A_76 = vector.load %arg7[%get3A_74, %get3A_75] : memref<768x1536xf32, #tpu.memory_space<vmem>>, vector<768x1536xf32>
      %dot_general3A_77 = arith.constant dense<0.000000e+00> : vector<512x768xf32>
      %dot_general3A_78 = tpu.matmul %mul3A_73, %get3A_76, %dot_general3A_77 {dimension_numbers = #tpu.dot_dimension_numbers<[1], [1], [0], [0], [0, 0, 1, 0], [], []>, transpose_lhs_hint = false} : vector<512x1536xf32>, vector<768x1536xf32>, vector<512x768xf32> -> vector<512x768xf32>
      %eq3A_79 = arith.constant 0 : i32
      %eq3A_80 = arith.cmpi eq, %arg1, %eq3A_79 : i32
      %convert_element_type3A_81 = arith.extui %eq3A_80 : i1 to i32
      %cond3A_82 = arith.constant 0 : i32
      %cond3A_83 = arith.cmpi ne, %convert_element_type3A_81, %cond3A_82 : i32
      scf.if %cond3A_83 {
        %swap3A = arith.index_cast %add3A_50 : i32 to index
        %swap3A_89 = arith.constant 0 : index
        %swap3A_90 = vector.load %arg9[%swap3A, %swap3A_89] : memref<3840x768xf32, #tpu.memory_space<vmem>>, vector<512x768xf32>
        tpu.vector_store %arg9[%swap3A, %swap3A_89], %dot_general3A_78 {strides = array<i32>} : memref<3840x768xf32, #tpu.memory_space<vmem>>, vector<512x768xf32>,
      } else {
      }
      %eq3A_84 = arith.constant 1 : i32
      %eq3A_85 = arith.cmpi eq, %arg1, %eq3A_84 : i32
      %convert_element_type3A_86 = arith.extui %eq3A_85 : i1 to i32
      %cond3A_87 = arith.constant 0 : i32
      %cond3A_88 = arith.cmpi ne, %convert_element_type3A_86, %cond3A_87 : i32
      scf.if %cond3A_88 {
        %get3A_89 = arith.index_cast %add3A_50 : i32 to index
        %get3A_90 = arith.constant 0 : index
        %get3A_91 = vector.load %arg9[%get3A_89, %get3A_90] : memref<3840x768xf32, #tpu.memory_space<vmem>>, vector<512x768xf32>
        %add3A_92 = arith.addf %get3A_91, %dot_general3A_78 : vector<512x768xf32>
        %get3A_93 = arith.constant 0 : index
        %get3A_94 = arith.constant 0 : index
        %get3A_95 = arith.constant 0 : index
        %get3A_96 = vector.load %arg8[%get3A_93, %get3A_94, %get3A_95] : memref<1x1x768xf32, #tpu.memory_space<vmem>>, vector<1x1x768xf32>
        %get3A_97 = vector.shape_cast %get3A_96 : vector<1x1x768xf32> to vector<1x768xf32>
        %add3A_98 = vector.broadcast %get3A_97 : vector<1x768xf32> to vector<512x768xf32>
        %add3A_99 = arith.addf %add3A_92, %add3A_98 : vector<512x768xf32>
        %get3A_100 = arith.index_cast %add3A_50 : i32 to index
        %get3A_101 = arith.constant 0 : index
        %get3A_102 = vector.load %arg4[%get3A_100, %get3A_101] : memref<3840x128xf32, #tpu.memory_space<vmem>>, vector<512x1xf32>
        %mul3A_103 = vector.broadcast %get3A_102 : vector<512x1xf32> to vector<512x768xf32>
        %mul3A_104 = arith.mulf %add3A_99, %mul3A_103 : vector<512x768xf32>
        %swap3A = arith.index_cast %add3A_50 : i32 to index
        %swap3A_105 = arith.constant 0 : index
        %swap3A_106 = vector.load %arg9[%swap3A, %swap3A_105] : memref<3840x768xf32, #tpu.memory_space<vmem>>, vector<512x768xf32>
        tpu.vector_store %arg9[%swap3A, %swap3A_105], %mul3A_104 {strides = array<i32>} : memref<3840x768xf32, #tpu.memory_space<vmem>>, vector<512x768xf32>,
      } else {
      }
    }
    %jit3A_30 = arith.constant 2 : i32
    %eq3A = arith.constant 0 : i32
    %eq3A_31 = arith.cmpi eq, %jit3A_30, %eq3A : i32
    %jit3A_32 = arith.constant 1 : i32
    %select_n3A_33 = arith.select %eq3A_31, %jit3A_32, %jit3A_30 : i32
    %rem3A_34 = arith.remsi %get3A_4, %select_n3A_33 : i32
    %ne3A_35 = arith.constant 0 : i32
    %ne3A_36 = arith.cmpi ne, %rem3A_34, %ne3A_35 : i32
    %lt3A = arith.constant 0 : i32
    %lt3A_37 = arith.cmpi slt, %rem3A_34, %lt3A : i32
    %lt3A_38 = arith.constant 0 : i32
    %lt3A_39 = arith.cmpi slt, %select_n3A_33, %lt3A_38 : i32
    %ne3A_40 = arith.xori %lt3A_37, %lt3A_39 : i1
    %and3A_41 = arith.andi %ne3A_40, %ne3A_36 : i1
    %add3A = arith.addi %rem3A_34, %select_n3A_33 : i32
    %select_n3A_42 = arith.select %and3A_41, %add3A, %rem3A_34 : i32
    %eq3A_43 = arith.constant 1 : i32
    %eq3A_44 = arith.cmpi eq, %select_n3A_42, %eq3A_43 : i32
    %convert_element_type3A = arith.extui %eq3A_44 : i1 to i32
    %cond3A = arith.constant 0 : i32
    %cond3A_45 = arith.cmpi ne, %convert_element_type3A, %cond3A : i32
    scf.if %cond3A_45 {
      %add3A_46 = arith.addi %get3A_1, %get3A_4 : i32
      %sub3A_47 = arith.constant 1 : i32
      %sub3A_48 = arith.subi %add3A_46, %sub3A_47 : i32
      %mul3A = arith.constant 256 : i32
      %mul3A_49 = arith.muli %sub3A_48, %mul3A : i32
      %get3A_50 = arith.index_cast %mul3A_49 : i32 to index
      %get3A_51 = arith.constant 0 : index
      %get3A_52 = vector.load %arg3[%get3A_50, %get3A_51] : memref<3840x768xf32, #tpu.memory_space<vmem>>, vector<256x768xf32>
      %get3A_53 = arith.constant 0 : index
      %get3A_54 = arith.constant 0 : index
      %get3A_55 = vector.load %arg5[%get3A_53, %get3A_54] : memref<1536x768xf32, #tpu.memory_space<vmem>>, vector<1536x768xf32>
      %dot_general3A = arith.constant dense<0.000000e+00> : vector<256x1536xf32>
      %dot_general3A_56 = tpu.matmul %get3A_52, %get3A_55, %dot_general3A {dimension_numbers = #tpu.dot_dimension_numbers<[1], [1], [0], [0], [0, 0, 1, 0], [], []>, transpose_lhs_hint = false} : vector<256x768xf32>, vector<1536x768xf32>, vector<256x1536xf32> -> vector<256x1536xf32>
      %get3A_57 = arith.constant 0 : index
      %get3A_58 = arith.constant 0 : index
      %get3A_59 = arith.constant 0 : index
      %get3A_60 = vector.load %arg6[%get3A_57, %get3A_58, %get3A_59] : memref<1x1x1536xf32, #tpu.memory_space<vmem>>, vector<1x1x1536xf32>
      %get3A_61 = vector.shape_cast %get3A_60 : vector<1x1x1536xf32> to vector<1x1536xf32>
      %add3A_62 = vector.broadcast %get3A_61 : vector<1x1536xf32> to vector<256x1536xf32>
      %add3A_63 = arith.addf %dot_general3A_56, %add3A_62 : vector<256x1536xf32>
      %mul3A_64 = arith.constant 1.702000e+00 : f32
      %mul3A_65 = vector.broadcast %mul3A_64 : f32 to vector<256x1536xf32>
      %mul3A_66 = arith.mulf %mul3A_65, %add3A_63 : vector<256x1536xf32>
      %logistic3A = arith.negf %mul3A_66 : vector<256x1536xf32>
      %logistic3A_67 = math.exp %logistic3A : vector<256x1536xf32>
      %logistic3A_68 = arith.constant 1.000000e+00 : f32
      %logistic3A_69 = vector.broadcast %logistic3A_68 : f32 to vector<256x1536xf32>
      %logistic3A_70 = arith.addf %logistic3A_69, %logistic3A_67 : vector<256x1536xf32>
      %logistic3A_71 = arith.divf %logistic3A_69, %logistic3A_70 : vector<256x1536xf32>
      %mul3A_72 = arith.mulf %add3A_63, %logistic3A_71 : vector<256x1536xf32>
      %get3A_73 = arith.constant 0 : index
      %get3A_74 = arith.constant 0 : index
      %get3A_75 = vector.load %arg7[%get3A_73, %get3A_74] : memref<768x1536xf32, #tpu.memory_space<vmem>>, vector<768x1536xf32>
      %dot_general3A_76 = arith.constant dense<0.000000e+00> : vector<256x768xf32>
      %dot_general3A_77 = tpu.matmul %mul3A_72, %get3A_75, %dot_general3A_76 {dimension_numbers = #tpu.dot_dimension_numbers<[1], [1], [0], [0], [0, 0, 1, 0], [], []>, transpose_lhs_hint = false} : vector<256x1536xf32>, vector<768x1536xf32>, vector<256x768xf32> -> vector<256x768xf32>
      %eq3A_78 = arith.constant 0 : i32
      %eq3A_79 = arith.cmpi eq, %arg1, %eq3A_78 : i32
      %convert_element_type3A_80 = arith.extui %eq3A_79 : i1 to i32
      %cond3A_81 = arith.constant 0 : i32
      %cond3A_82 = arith.cmpi ne, %convert_element_type3A_80, %cond3A_81 : i32
      scf.if %cond3A_82 {
        %swap3A = arith.index_cast %mul3A_49 : i32 to index
        %swap3A_88 = arith.constant 0 : index
        %swap3A_89 = vector.load %arg9[%swap3A, %swap3A_88] : memref<3840x768xf32, #tpu.memory_space<vmem>>, vector<256x768xf32>
        tpu.vector_store %arg9[%swap3A, %swap3A_88], %dot_general3A_77 {strides = array<i32>} : memref<3840x768xf32, #tpu.memory_space<vmem>>, vector<256x768xf32>,
      } else {
      }
      %eq3A_83 = arith.constant 1 : i32
      %eq3A_84 = arith.cmpi eq, %arg1, %eq3A_83 : i32
      %convert_element_type3A_85 = arith.extui %eq3A_84 : i1 to i32
      %cond3A_86 = arith.constant 0 : i32
      %cond3A_87 = arith.cmpi ne, %convert_element_type3A_85, %cond3A_86 : i32
      scf.if %cond3A_87 {
        %get3A_88 = arith.index_cast %mul3A_49 : i32 to index
        %get3A_89 = arith.constant 0 : index
        %get3A_90 = vector.load %arg9[%get3A_88, %get3A_89] : memref<3840x768xf32, #tpu.memory_space<vmem>>, vector<256x768xf32>
        %add3A_91 = arith.addf %get3A_90, %dot_general3A_77 : vector<256x768xf32>
        %get3A_92 = arith.constant 0 : index
        %get3A_93 = arith.constant 0 : index
        %get3A_94 = arith.constant 0 : index
        %get3A_95 = vector.load %arg8[%get3A_92, %get3A_93, %get3A_94] : memref<1x1x768xf32, #tpu.memory_space<vmem>>, vector<1x1x768xf32>
        %get3A_96 = vector.shape_cast %get3A_95 : vector<1x1x768xf32> to vector<1x768xf32>
        %add3A_97 = vector.broadcast %get3A_96 : vector<1x768xf32> to vector<256x768xf32>
        %add3A_98 = arith.addf %add3A_91, %add3A_97 : vector<256x768xf32>
        %get3A_99 = arith.index_cast %mul3A_49 : i32 to index
        %get3A_100 = arith.constant 0 : index
        %get3A_101 = vector.load %arg4[%get3A_99, %get3A_100] : memref<3840x128xf32, #tpu.memory_space<vmem>>, vector<256x1xf32>
        %mul3A_102 = vector.broadcast %get3A_101 : vector<256x1xf32> to vector<256x768xf32>
        %mul3A_103 = arith.mulf %add3A_98, %mul3A_102 : vector<256x768xf32>
        %swap3A = arith.index_cast %mul3A_49 : i32 to index
        %swap3A_104 = arith.constant 0 : index
        %swap3A_105 = vector.load %arg9[%swap3A, %swap3A_104] : memref<3840x768xf32, #tpu.memory_space<vmem>>, vector<256x768xf32>
        tpu.vector_store %arg9[%swap3A, %swap3A_104], %mul3A_103 {strides = array<i32>} : memref<3840x768xf32, #tpu.memory_space<vmem>>, vector<256x768xf32>,
      } else {
      }
    } else {
    }
    return
  }
  func.func @transform_0(%arg0: i32, %arg1: i32, %arg2: memref<2x8xi32, #tpu.memory_space<smem>>) -> (i32, i32) {
    %c0_i32 = arith.constant 0 : i32
    %c0_i32_0 = arith.constant 0 : i32
    %c0_i32_1 = arith.constant 0 : i32
    return %c0_i32, %c0_i32_0 : i32, i32
  }
  func.func @transform_1(%arg0: i32, %arg1: i32, %arg2: memref<2x8xi32, #tpu.memory_space<smem>>) -> (i32, i32) {
    %c0_i32 = arith.constant 0 : i32
    %c0_i32_0 = arith.constant 0 : i32
    %c0_i32_1 = arith.constant 0 : i32
    return %c0_i32, %c0_i32_0 : i32, i32
  }
  func.func @transform_2(%arg0: i32, %arg1: i32, %arg2: memref<2x8xi32, #tpu.memory_space<smem>>) -> (i32, i32) {
    %mul3A = arith.constant 2 : i32
    %mul3A_0 = arith.muli %mul3A, %arg0 : i32
    %add3A = arith.addi %mul3A_0, %arg1 : i32
    %c0_i32 = arith.constant 0 : i32
    %c0_i32_1 = arith.constant 0 : i32
    return %add3A, %c0_i32 : i32, i32
  }
  func.func @transform_3(%arg0: i32, %arg1: i32, %arg2: memref<2x8xi32, #tpu.memory_space<smem>>) -> (i32, i32, i32) {
    %c0_i32 = arith.constant 0 : i32
    %c0_i32_0 = arith.constant 0 : i32
    return %arg0, %c0_i32, %arg1 : i32, i32, i32
  }
  func.func @transform_4(%arg0: i32, %arg1: i32, %arg2: memref<2x8xi32, #tpu.memory_space<smem>>) -> (i32, i32) {
    %c0_i32 = arith.constant 0 : i32
    return %arg0, %arg1 : i32, i32
  }
  func.func @transform_5(%arg0: i32, %arg1: i32, %arg2: memref<2x8xi32, #tpu.memory_space<smem>>) -> (i32, i32, i32) {
    %c0_i32 = arith.constant 0 : i32
    %c0_i32_0 = arith.constant 0 : i32
    %c0_i32_1 = arith.constant 0 : i32
    return %arg0, %c0_i32, %c0_i32_0 : i32, i32, i32
  }
  func.func @transform_6(%arg0: i32, %arg1: i32, %arg2: memref<2x8xi32, #tpu.memory_space<smem>>) -> (i32, i32) {
    %c0_i32 = arith.constant 0 : i32
    %c0_i32_0 = arith.constant 0 : i32
    %c0_i32_1 = arith.constant 0 : i32
    return %c0_i32, %c0_i32_0 : i32, i32
  }
}

</mosaic_0001>

<sc_bundles>
// kernel: kernel.6.cloned.1.call-start
scs
__scs_entry_jumppad:
0x0: {  	(pc) =	sbr.rel $0x88, $3  }
0x1: {  	(tag) =	ssettag $0x0;
	lr =	simm.s32 $0x1  }
0x2: {  	[smem:$0x3F9A] =	sst lr;
	_ =	strace $0xD0000000  }
0x3: {  	_ = 	snop  }
0x4: {  	_ = 	snop  }
0x5: {  	_ = 	snop  }
0x6: {  	_ = 	snop  }
0x7: {  	_ = 	snop  }
__scs_overlays_trampoline_lowered:
0x8: {  	[smem:$0x3FA9] =	sst s0  }
0x9: {  	[smem:$0x3FAA] =	sst s1  }
0xa: {  	[smem:$0x3FAB] =	sst s2  }
0xb: {  	[smem:$0x3FAC] =	sst s3  }
0xc: {  	[smem:$0x3FAD] =	sst s4  }
0xd: {  	[smem:$0x3FAE] =	sst s5  }
0xe: {  	[smem:$0x3FAF] =	sst s6  }
0xf: {  	[smem:$0x3FB0] =	sst s7  }
0x10: {  	[smem:$0x3FB1] =	sst s8  }
0x11: {  	[smem:$0x3FB2] =	sst s9;
	s0 =	simm.s32 @!p0 $0x0  }
0x12: {  	s1 =	sld [smem:$0x3F98];
	s0 =	simm.s32 @p0 $0x1  }
0x13: {  	[smem:$0x3FB3] =	sst s0;
	s0 =	simm.s32 @!p1 $0x0  }
0x14: {  	s2 =	sld [smem:$0x3F97];
	s0 =	simm.s32 @p1 $0x1  }
0x15: {  	[smem:$0x3FB4] =	sst s0;
	s0 =	simm.s32 @!p2 $0x0  }
0x16: {  	s3 =	sld [smem:$0x3FDB];
	s0 =	simm.s32 @p2 $0x1  }
0x17: {  	s4 =	simm.s32 $0x1BF5;
	[smem:$0x3FB6] =	sst s0  }
0x18: {  	s0 =	sld [smem:$0x3F99];
	_ =	swait.ge [sflag:s4], $0x0  }
0x19: {  	s7 =	sld [smem:$0x3F9A]  }
0x1a: {  	s8 =	sadd.s32 $0xFFFFE003, lr  }
0x1b: {  	s9 =	sadd.s32 $0xFFFFFEF7, lr;
	s5 =	simm.s32 $0xFFFFFFFF;
	p2 =	slt.u32 s8, $0xFFFFF086  }
0x1c: {  	p1 =	slt.u32 s9, $0xF7A;
	s5 =	simm.s32 @!p2 $0x0  }
0x1d: {  	s5 =	simm.s32 @p1 $0x1;
	p0 =	seq.s32 s7, s2  }
0x1e: {  	s7 =	smul.u32 @!p0 $0xF7A, s2;
	p2 =	seq.s32 @!p0 s5, $0x0  }
0x1f: {  	s9 =	smul.u32 $0xF7A, s1;
	s8 =	simm.s32 @!p0 $0x1BF5;
	p2 =	por !p2, p0  }
0x20: {  	[sflag:s8] =	ssyncset.s32 @!p0 $0xFFFFF086;
	s6 =	sadd.s32 @!p0 s3, s7;
	s7 =	simm.s32 @!p0 $0x108  }
0x21: {  	s3 =	sadd.s32 s3, s9;
	s6 =	sadd.s32 @!p0 $0x88, s6;
	s7 =	simm.s32 @p2 $0x1082  }
0x22: {  	[simem:s7], [sflag:s8] =	dma.local @!p0 [hbm:s6], $0xF7A  }
0x23: {  	s9 =	sor.u32 $0xD0000000, s2;
	s6 =	simm.s32 $0x108;
	_ =	swait.ge @!p0 [sflag:s8], $0x0  }
0x24: {  	s3 =	sadd.s32 $0x88, s3;
	s6 =	simm.s32 @!p1 $0x1082;
	[sflag:s4] =	ssyncset.s32 $0xFFFFF086  }
0x25: {  	[simem:s6], [sflag:s4] =	dma.local [hbm:s3], $0xF7A  }
0x26: {  	[smem:$0x3F9A] =	sst s1;
	(tag) =	ssettag s2;
	_ =	strace s9  }
0x27: {  	s1 =	sld [smem:$0x3FAA]  }
0x28: {  	s2 =	sld [smem:$0x3FAB]  }
0x29: {  	s4 =	sld [smem:$0x3FAD]  }
0x2a: {  	p0 =	seq.s32 s5, $0x0;
	s5 =	sld [smem:$0x3FAE]  }
0x2b: {  	s6 =	sld [smem:$0x3FAF]  }
0x2c: {  	s7 =	sld [smem:$0x3FB0]  }
0x2d: {  	s3 =	simm.s32 $0x108;
	s8 =	sld [smem:$0x3FB1]  }
0x2e: {  	s3 =	simm.s32 @!p0 $0x1082;
	s9 =	sld [smem:$0x3FB2]  }
0x2f: {  	lr =	sadd.s32 s0, s3;
	s0 =	sld [smem:$0x3FA9]  }
0x30: {  	s3 =	sld [smem:$0x3FAC]  }
0x31: {  	[smem:$0x3FB5] =	sst s10  }
0x32: {  	s10 =	sld [smem:$0x3FB3];
	_ =	sdelay $0x3  }
0x33: {  	p0 =	seq.s32 s10, $0x1;
	s10 =	sld [smem:$0x3FB5];
	_ =	sdelay $0x3  }
0x34: {  	[smem:$0x3FB5] =	sst s10  }
0x35: {  	s10 =	sld [smem:$0x3FB4];
	_ =	sdelay $0x3  }
0x36: {  	p1 =	seq.s32 s10, $0x1;
	s10 =	sld [smem:$0x3FB5];
	_ =	sdelay $0x3  }
0x37: {  	[smem:$0x3FB5] =	sst s10  }
0x38: {  	s10 =	sld [smem:$0x3FB6]  }
0x39: {  	_ = 	snop;
	(pc) =	sbr.ind lr, $3  }
0x3a: {  	_ = 	snop  }
0x3b: {  	_ = 	snop  }
0x3c: {  	p2 =	seq.s32 s10, $0x1;
	s10 =	sld [smem:$0x3FB5]  }
0x3d: {  	_ =	shalt  }
0x3e: {  	_ =	shalt  }
0x3f: {  	_ =	shalt  }
0x40: {  	_ =	shalt  }
0x41: {  	_ =	shalt  }
0x42: {  	_ =	shalt  }
0x43: {  	_ =	shalt  }
0x44: {  	_ =	shalt  }
0x45: {  	_ =	shalt  }
0x46: {  	_ =	shalt  }
0x47: {  	_ =	shalt  }
0x48: {  	_ =	shalt  }
0x49: {  	_ =	shalt  }
0x4a: {  	_ =	shalt  }
0x4b: {  	_ =	shalt  }
0x4c: {  	_ =	shalt  }
0x4d: {  	_ =	shalt  }
0x4e: {  	_ =	shalt  }
0x4f: {  	_ =	shalt  }
0x50: {  	_ =	shalt  }
0x51: {  	_ =	shalt  }
0x52: {  	_ =	shalt  }
0x53: {  	_ =	shalt  }
0x54: {  	_ =	shalt  }
0x55: {  	_ =	shalt  }
0x56: {  	_ =	shalt  }
0x57: {  	_ =	shalt  }
0x58: {  	_ =	shalt  }
0x59: {  	_ =	shalt  }
0x5a: {  	_ =	shalt  }
0x5b: {  	_ =	shalt  }
0x5c: {  	_ =	shalt  }
0x5d: {  	_ =	shalt  }
0x5e: {  	_ =	shalt  }
0x5f: {  	_ =	shalt  }
0x60: {  	_ =	shalt  }
0x61: {  	_ =	shalt  }
0x62: {  	_ =	shalt  }
0x63: {  	_ =	shalt  }
0x64: {  	_ =	shalt  }
0x65: {  	_ =	shalt  }
0x66: {  	_ =	shalt  }
0x67: {  	_ =	shalt  }
0x68: {  	_ =	shalt  }
0x69: {  	_ =	shalt  }
0x6a: {  	_ =	shalt  }
0x6b: {  	_ =	shalt  }
0x6c: {  	_ =	shalt  }
0x6d: {  	_ =	shalt  }
0x6e: {  	_ =	shalt  }
0x6f: {  	_ =	shalt  }
0x70: {  	_ =	shalt  }
0x71: {  	_ =	shalt  }
0x72: {  	_ =	shalt  }
0x73: {  	_ =	shalt  }
0x74: {  	_ =	shalt  }
0x75: {  	_ =	shalt  }
0x76: {  	_ =	shalt  }
0x77: {  	_ =	shalt  }
0x78: {  	_ =	shalt  }
0x79: {  	_ =	shalt  }
0x7a: {  	_ =	shalt  }
0x7b: {  	_ =	shalt  }
0x7c: {  	_ =	shalt  }
0x7d: {  	_ =	shalt  }
0x7e: {  	_ =	shalt  }
0x7f: {  	_ =	shalt  }
0x80: {  	_ =	shalt  }
0x81: {  	_ =	shalt  }
0x82: {  	_ =	shalt  }
0x83: {  	_ =	shalt  }
0x84: {  	_ =	shalt  }
0x85: {  	_ =	shalt  }
0x86: {  	_ =	shalt  }
0x87: {  	_ =	shalt  }
.Lfunc_end0:
.L_simem_size_0:
called_computation_lowered:
.L_overlay_start_0:
0x88: {  	s2 =	sld [smem:$0x3FD9]  }
0x89: {  	s3 =	sld [smem:$0x3FFE];
	_ =	sdelay $0x1  }
0x8a: {  	s1 =	srdreg.scid  }
0x8b: {  	s0 =	sand.u32 $0x1, s1  }
0x8c: {  	s14 =	sshll.u32 s0, $0xA;
	s2 =	sadd.s32 s3, s2  }
0x8d: {  	s2 =	sadd.s32 s2, s14  }
0x8e: {  	[smem:$0x3FC1] =	sst s2  }
0x8f: {  	_ = 	snop  }
0x90: {  	s2 =	sld [smem:$0x3FD0];
	_ =	sdelay $0x2  }
0x91: {  	s4 =	simm.s32 $0xA;
	s5 =	simm.s32 $0x10;
	s15 =	sld [smem:$0x3FC9]  }
0x92: {  	[smem:s5], [sflag:s4] =	dma.local [hbm:s2], $0x1  }
0x93: {  	_ =	swait.eq [sflag:s4], $0x1  }
0x94: {  	[sflag:s4] =	ssyncset.done $0x0  }
0x95: {  	[sflag:s4] =	ssyncadd.s32 $0xFFFFFFFF  }
0x96: {  	s16 =	sld [smem:$0x10];
	(tm) =	ssettm $0x1  }
0x97: {  	s17 =	sld [smem:$0x3FFB];
	_ =	sdelay $0x3  }
0x98: {  	_ =	strace s17  }
0x99: {  	s4 =	sld [smem:$0x3FFC];
	_ =	sdelay $0x3  }
0x9a: {  	_ =	strace s4  }
0x9b: {  	s4 =	sld [smem:$0x3FFD];
	_ =	sdelay $0x3  }
0x9c: {  	_ =	strace s4  }
0x9d: {  	_ =	strace $0x8FFFFFFF  }
0x9e: {  	s18 =	sld [smem:$0x3FDB];
	_ =	sdelay $0x1  }
0x9f: {  	s19 =	simm.s32 $_scs_section_size  }
0xa0: {  	s6 =	simm.s32 $_size__tile_overlayer_lowered;
	s7 =	simm.s32 $_tile_overlayer_lowered  }
0xa1: {  	s22 =	simm.s32 $0x1BFF;
	s21 =	sshll.u32 s7, $0x1;
	s4 =	sadd.s32 s19, s18  }
0xa2: {  	s8 =	simm.s32 $0x0;
	s20 =	sshll.u32 s6, $0x1;
	s6 =	sadd.s32 s21, s4  }
0xa3: {  	[timem:s8], [sflag:s22] =	dma.local [hbm:s6], s20  }
0xa4: {  	_ =	swait.ge [sflag:s22], s20  }
0xa5: {  	s5 =	ssub.s32 $0x0, s20;
	[sflag:s22] =	ssyncset.done $0x0  }
0xa6: {  	[sflag:s22] =	ssyncadd.s32 s5;
	_ =	sdelay $0x1  }
0xa7: {  	s23 =	simm.s32 $0x1B8B  }
0xa8: {  	_ =	swait.ge [sflag:s23], $0x1  }
0xa9: {  	[sflag:s23] =	ssyncset.done $0x0  }
0xaa: {  	s25 =	simm.s32 $0x1B8E;
	s24 =	sld [smem:$0x3FFE];
	[sflag:s23] =	ssyncadd.s32 $0xFFFFFFFF  }
0xab: {  	s26 =	simm.s32 $execute0_lowered;
	[smem:$0x3FD2] =	sst s25  }
0xac: {  	s6 =	sshll.u32 s26, $0x1;
	_ =	strace $0x80000046;
	[dreg:$0x1] =	wrdreg $0xFFFFFFFF  }
0xad: {  	s28 =	simm.s32 $_size_execute0_lowered;
	s4 =	sadd.s32 s4, s6;
	[dreg:$0x0] =	wrdreg $0x0  }
0xae: {  	s6 =	sshll.u32 s28, $0x1;
	[dreg:$0x2] =	wrdreg s4  }
0xaf: {  	[dreg:$0x3] =	wrdreg s6  }
0xb0: {  	[dreg:$0x4] =	wrdreg $0xC0  }
0xb1: {  	_ =	task [dreg:s8], $0x5FFFF  }
0xb2: {  	[dreg:$0x1] =	wrdreg $0xFFFFFFFF  }
0xb3: {  	[dreg:$0x0] =	wrdreg $0x60  }
0xb4: {  	[dreg:$0x2] =	wrdreg s15  }
0xb5: {  	[dreg:$0x3] =	wrdreg s24  }
0xb6: {  	[dreg:$0x4] =	wrdreg s16  }
0xb7: {  	[dreg:$0x5] =	wrdreg $0x9  }
0xb8: {  	_ =	task.clear_ibuf [dreg:s8], $0x6FFFF;
	_ =	strace $0x90000046  }
0xb9: {  	s29 =	simm.s32 $0x9;
	_ =	strace $0x80000048  }
0xba: {  	_ =	swait.ge [sflag:s29], $0x1  }
0xbb: {  	[sflag:s29] =	ssyncadd.s32 $0xFFFFFFFF  }
0xbc: {  	_ =	strace $0x90000048  }
0xbd: {  	_ =	sfence  }
0xbe: {  	s30 =	sld [smem:$0x0];
	_ =	sdelay $0x2  }
0xbf: {  	s31 =	sshll.u32 s1, $0xD;
	s1 =	sshrl.u32 s1, $0x2  }
0xc0: {  	s3 =	sand.u32 $0x4000, s31;
	s1 =	sadd.s32 s1, s30  }
0xc1: {  	s0 =	sor.u32 s3, s0;
	s1 =	sshll.u32 s1, $0x11  }
0xc2: {  	s0 =	sor.u32 s1, s0  }
0xc3: {  	s0 =	sadd.s32 $0x8F2B, s0  }
0xc4: {  	[sflag:s0] =	ssyncadd.remote.s32 $0x1  }
0xc5: {  	_ =	sfence.sel $0xFFFF  }
0xc6: {  	[dreg:$0x0] =	wrdreg $0xFFFFFFFF;
	(pc) =	sbr.abs _section_cstart, $3  }
0xc7: {  	[dreg:$0x1] =	wrdreg $0xFFFFFFFF  }
0xc8: {  	_ =	task.clear_ibuf [dreg:s8], $0x2FFFF;
	_ =	strace $0x9FFFFFFF  }
0xc9: {  	(tm) =	ssettm $0x7FFFFFFF  }
tec
execute0_lowered:
.L_overlay_start_1:
0x0: {  	(tag) =	ssettag $0x1  }
0x1: {  	s1 =	rddreg [dreg:$0x0]  }
0x2: {  	s5 =	rddreg [dreg:$0x1];
	s2 =	srdreg.scid  }
0x3: {  	s3 =	rddreg [dreg:$0x2];
	s0 =	stileid.u32;
	s23 =	simm.s32 $0x880  }
0x4: {  	s24 =	simm.s32 $0x1080;
	s25 =	simm.s32 $0x1880;
	s8 =	simm.s32 $0x80  }
0x5: {  	s26 =	simm.s32 $0x2080;
	s9 =	simm.s32 $0xC080;
	s11 =	simm.s32 $0x3080  }
0x6: {  	s12 =	simm.s32 $0x3880;
	s13 =	simm.s32 $0x4080;
	s14 =	simm.s32 $0x4880  }
0x7: {  	s15 =	simm.s32 $0x5080;
	s16 =	simm.s32 $0x5880;
	s17 =	simm.s32 $0x6080  }
0x8: {  	s18 =	simm.s32 $0x6880;
	s19 =	simm.s32 $0x7080;
	s28 =	simm.s32 $0xB080  }
0x9: {  	s4 =	sand.u32 $0x1, s2;
	[dreg:$0x4] =	wrdreg s3;
	s2 =	simm.s32 $0x0  }
0xa: {  	s29 =	simm.s32 $0xB880;
	s30 =	simm.s32 $0x40;
	[smem:$0x7FF] =	sst s2  }
0xb: {  	s31 =	simm.s32 $0x1;
	_ =	strace $0x80000047;
	[dreg:$0x8] =	wrdreg s23  }
0xc: {  	s20 =	sshll.u32 s0, $0x7;
	s6 =	sshll.u32 s4, $0x6;
	[dreg:$0x9] =	wrdreg s24  }
0xd: {  	s4 =	ssub.s32 $0x2, s4;
	s3 =	sor.u32 s6, s20;
	[dreg:$0xa] =	wrdreg s25  }
0xe: {  	s21 =	sshrl.u32 s4, $0x1;
	[dreg:$0xb] =	wrdreg s26;
	s20 =	simm.s32 $0x7880  }
0xf: {  	s23 =	simm.s32 $0x9080;
	s24 =	simm.s32 $0x9880;
	s25 =	simm.s32 $0xA080  }
0x10: {  	s26 =	simm.s32 $0xA880;
	s6 =	sshrl.u32 s3, $0x3;
	s3 =	sshll.u32 s3, $0x4  }
0x11: {  	s7 =	sadd.s32 s6, s5;
	s6 =	smul.u32 $0x300, s6;
	s3 =	sadd.s32 s3, s5  }
0x12: {  	s7 =	sadd.s32 $0x9A00, s7;
	s22 =	sadd.s32 $0x1800, s3;
	s3 =	sadd.s32 $0x9C00, s5  }
0x13: {  	[dreg:$0x5] =	wrdreg s7;
	s1 =	sadd.s32 s1, s6;
	s6 =	ssub.s32 s4, s21  }
0x14: {  	v2 =	vlaneseq.u32;
	[dreg:$0x7] =	wrdreg s22;
	s4 =	sadd.s32 $0x9D00, s5;
	s5 =	sadd.s32 $0x9E00, s5  }
0x15: {  	vm0 =	vmmov $0xffff;
	v1 =	vshrl.u32 v2, $0x3;
	s7 =	simm.s32 $0x3;
	s21 =	simm.s32 $0x8080;
	s22 =	simm.s32 $0x8880  }
0x16: {  	v0 =	vand.u32 $0x7, v2;
	v2 =	vor.u32 $0x8, v2;
	v1 =	vmul.u32 $0x8, v1;
	[dreg:$0x6] =	wrdreg s1;
	s6 =	smax.u32 s6, $0x1;
	s1 =	simm.s32 $0x2  }
.LBB2_1:
0x17: {  	s0 =	rddreg [dreg:$0x5]  }
0x18: {  	[tilespmem:s2], [sflag:$0x3] =	stream.linear.gather [hbm4b:s0+s2], $0x40, $0x38;
	[tilespmem:$0xE080] =	vst v63  }
0x19: {  	_ =	swait.ge [sflag:s7], $0x40  }
0x1a: {  	[sflag:s7] =	ssyncset.done $0x0  }
0x1b: {  	s10 =	rddreg [dreg:$0x6];
	[sflag:s7] =	ssyncadd.s32 $0xFFFFFFC0  }
0x1c: {  	[tilespmem:s8], [sflag:$0x3] =	stream.linear.gather [hbm4b:s10+s2], $0xC000, $0x38;
	[tilespmem:$0xE080] =	vst v63  }
0x1d: {  	_ =	swait.ge [sflag:s7], $0xC000  }
0x1e: {  	[sflag:s7] =	ssyncset.done $0x0  }
0x1f: {  	s10 =	rddreg [dreg:$0x7];
	[sflag:s7] =	ssyncadd.s32 $0xFFFF4000  }
0x20: {  	[tilespmem:s9], [sflag:$0x3] =	stream.linear.gather [hbm4b:s10+s2], $0x2000, $0x38;
	[tilespmem:$0xE080] =	vst v63  }
0x21: {  	_ =	swait.ge [sflag:s7], $0x2000  }
0x22: {  	[sflag:s7] =	ssyncset.done $0x0  }
0x23: {  	[sflag:s7] =	ssyncadd.s32 $0xFFFFE000  }
0x24: {  	v3 =	vld [tilespmem:$0x0];
	_ =	sdelay $0x4  }
0x25: {  	v4 =	vshrl.u32 v3, $0x3  }
0x26: {  	v4 =	vmul.u32 $0x30, v4  }
0x27: {  	v3 =	vand.u32 $0x7, v3  }
0x28: {  	v3 =	vor.u32 v3, v4  }
0x29: {  	v4 =	vperm.xlane v3, v0;
	_ =	sdelay $0x1  }
0x2a: {  	v4 =	vadd.s32 v1, v4;
	_ =	sdelay $0x3  }
0x2b: {  	v3 =	vperm.xlane v3, v2  }
0x2c: {  	[hbm4b:s3+s2] =	stream.indirect_vreg.scatter [tilespmem:s8], [sflag:$0x1], $0x80, v4, vm0, $0xb8;
	[tilespmem:$0xE080] =	vst v63  }
0x2d: {  	s0 =	rddreg [dreg:$0x8];
	v3 =	vadd.s32 v1, v3  }
0x2e: {  	[hbm4b:s4+s2] =	stream.indirect_vreg.scatter [tilespmem:s0], [sflag:$0x1], $0x80, v4, vm0, $0xb8;
	[tilespmem:$0xE080] =	vst v63  }
0x2f: {  	s10 =	rddreg [dreg:$0x9]  }
0x30: {  	[hbm4b:s5+s2] =	stream.indirect_vreg.scatter [tilespmem:s10], [sflag:$0x1], $0x80, v4, vm0, $0xb8;
	[tilespmem:$0xE080] =	vst v63  }
0x31: {  	s0 =	rddreg [dreg:$0xa]  }
0x32: {  	[hbm4b:s3+s2] =	stream.indirect_vreg.scatter [tilespmem:s0], [sflag:$0x1], $0x80, v3, vm0, $0xb8;
	[tilespmem:$0xE080] =	vst v63  }
0x33: {  	s10 =	rddreg [dreg:$0xb]  }
0x34: {  	[hbm4b:s4+s2] =	stream.indirect_vreg.scatter [tilespmem:s10], [sflag:$0x1], $0x80, v3, vm0, $0xb8;
	[tilespmem:$0xE080] =	vst v63  }
0x35: {  	s10 =	simm.s32 $0x2880  }
0x36: {  	[hbm4b:s5+s2] =	stream.indirect_vreg.scatter [tilespmem:s10], [sflag:$0x1], $0x80, v3, vm0, $0xb8;
	[tilespmem:$0xE080] =	vst v63  }
0x37: {  	v3 =	vld [tilespmem:$0x10];
	_ =	sdelay $0x4  }
0x38: {  	v61 =	vshrl.u32 v3, $0x3  }
0x39: {  	v4 =	vmul.u32 $0x30, v61  }
0x3a: {  	v3 =	vand.u32 $0x7, v3  }
0x3b: {  	v3 =	vor.u32 v3, v4  }
0x3c: {  	v4 =	vperm.xlane v3, v0;
	_ =	sdelay $0x1  }
0x3d: {  	v4 =	vadd.s32 v1, v4;
	_ =	sdelay $0x3  }
0x3e: {  	v3 =	vperm.xlane v3, v2  }
0x3f: {  	[hbm4b:s3+s2] =	stream.indirect_vreg.scatter [tilespmem:s11], [sflag:$0x1], $0x80, v4, vm0, $0xb8;
	[tilespmem:$0xE080] =	vst v63  }
0x40: {  	v3 =	vadd.s32 v1, v3  }
0x41: {  	[hbm4b:s4+s2] =	stream.indirect_vreg.scatter [tilespmem:s12], [sflag:$0x1], $0x80, v4, vm0, $0xb8;
	[tilespmem:$0xE080] =	vst v63  }
0x42: {  	_ = 	snop  }
0x43: {  	[hbm4b:s5+s2] =	stream.indirect_vreg.scatter [tilespmem:s13], [sflag:$0x1], $0x80, v4, vm0, $0xb8;
	[tilespmem:$0xE080] =	vst v63  }
0x44: {  	_ = 	snop  }
0x45: {  	[hbm4b:s3+s2] =	stream.indirect_vreg.scatter [tilespmem:s14], [sflag:$0x1], $0x80, v3, vm0, $0xb8;
	[tilespmem:$0xE080] =	vst v63  }
0x46: {  	_ = 	snop  }
0x47: {  	[hbm4b:s4+s2] =	stream.indirect_vreg.scatter [tilespmem:s15], [sflag:$0x1], $0x80, v3, vm0, $0xb8;
	[tilespmem:$0xE080] =	vst v63  }
0x48: {  	_ = 	snop  }
0x49: {  	[hbm4b:s5+s2] =	stream.indirect_vreg.scatter [tilespmem:s16], [sflag:$0x1], $0x80, v3, vm0, $0xb8;
	[tilespmem:$0xE080] =	vst v63  }
0x4a: {  	v3 =	vld [tilespmem:$0x20];
	_ =	sdelay $0x4  }
0x4b: {  	v62 =	vshrl.u32 v3, $0x3  }
0x4c: {  	v4 =	vmul.u32 $0x30, v62  }
0x4d: {  	v3 =	vand.u32 $0x7, v3  }
0x4e: {  	v3 =	vor.u32 v3, v4  }
0x4f: {  	v4 =	vperm.xlane v3, v0;
	_ =	sdelay $0x1  }
0x50: {  	v4 =	vadd.s32 v1, v4;
	_ =	sdelay $0x3  }
0x51: {  	v3 =	vperm.xlane v3, v2  }
0x52: {  	[hbm4b:s3+s2] =	stream.indirect_vreg.scatter [tilespmem:s17], [sflag:$0x1], $0x80, v4, vm0, $0xb8;
	[tilespmem:$0xE080] =	vst v63  }
0x53: {  	v3 =	vadd.s32 v1, v3  }
0x54: {  	[hbm4b:s4+s2] =	stream.indirect_vreg.scatter [tilespmem:s18], [sflag:$0x1], $0x80, v4, vm0, $0xb8;
	[tilespmem:$0xE080] =	vst v63  }
0x55: {  	_ = 	snop  }
0x56: {  	[hbm4b:s5+s2] =	stream.indirect_vreg.scatter [tilespmem:s19], [sflag:$0x1], $0x80, v4, vm0, $0xb8;
	[tilespmem:$0xE080] =	vst v63  }
0x57: {  	_ = 	snop  }
0x58: {  	[hbm4b:s3+s2] =	stream.indirect_vreg.scatter [tilespmem:s20], [sflag:$0x1], $0x80, v3, vm0, $0xb8;
	[tilespmem:$0xE080] =	vst v63  }
0x59: {  	_ = 	snop  }
0x5a: {  	[hbm4b:s4+s2] =	stream.indirect_vreg.scatter [tilespmem:s21], [sflag:$0x1], $0x80, v3, vm0, $0xb8;
	[tilespmem:$0xE080] =	vst v63  }
0x5b: {  	_ = 	snop  }
0x5c: {  	[hbm4b:s5+s2] =	stream.indirect_vreg.scatter [tilespmem:s22], [sflag:$0x1], $0x80, v3, vm0, $0xb8;
	[tilespmem:$0xE080] =	vst v63  }
0x5d: {  	v3 =	vld [tilespmem:$0x30];
	_ =	sdelay $0x4  }
0x5e: {  	v63 =	vshrl.u32 v3, $0x3  }
0x5f: {  	v4 =	vmul.u32 $0x30, v63  }
0x60: {  	v3 =	vand.u32 $0x7, v3  }
0x61: {  	v3 =	vor.u32 v3, v4  }
0x62: {  	v4 =	vperm.xlane v3, v0;
	_ =	sdelay $0x1  }
0x63: {  	v4 =	vadd.s32 v1, v4;
	_ =	sdelay $0x3  }
0x64: {  	v3 =	vperm.xlane v3, v2  }
0x65: {  	[hbm4b:s3+s2] =	stream.indirect_vreg.scatter [tilespmem:s23], [sflag:$0x1], $0x80, v4, vm0, $0xb8;
	[tilespmem:$0xE080] =	vst v63  }
0x66: {  	v3 =	vadd.s32 v1, v3  }
0x67: {  	[hbm4b:s4+s2] =	stream.indirect_vreg.scatter [tilespmem:s24], [sflag:$0x1], $0x80, v4, vm0, $0xb8;
	[tilespmem:$0xE080] =	vst v63  }
0x68: {  	_ = 	snop  }
0x69: {  	[hbm4b:s5+s2] =	stream.indirect_vreg.scatter [tilespmem:s25], [sflag:$0x1], $0x80, v4, vm0, $0xb8;
	[tilespmem:$0xE080] =	vst v63  }
0x6a: {  	_ = 	snop  }
0x6b: {  	[hbm4b:s3+s2] =	stream.indirect_vreg.scatter [tilespmem:s26], [sflag:$0x1], $0x80, v3, vm0, $0xb8;
	[tilespmem:$0xE080] =	vst v63  }
0x6c: {  	_ = 	snop  }
0x6d: {  	[hbm4b:s4+s2] =	stream.indirect_vreg.scatter [tilespmem:s28], [sflag:$0x1], $0x80, v3, vm0, $0xb8;
	[tilespmem:$0xE080] =	vst v63  }
0x6e: {  	_ = 	snop  }
0x6f: {  	[hbm4b:s5+s2] =	stream.indirect_vreg.scatter [tilespmem:s29], [sflag:$0x1], $0x80, v3, vm0, $0xb8;
	[tilespmem:$0xE080] =	vst v63  }
0x70: {  	s10 =	rddreg [dreg:$0x4]  }
0x71: {  	[hbm4b:s10+s30] =	stream.indirect.scatter [tilespmem:s9], [sflag:$0x2], $0x80, s2, s30, $0xb8;
	[tilespmem:$0xE080] =	vst v63  }
0x72: {  	p0 =	sne.s32 s6, $0x1;
	_ =	swait.ge [sflag:s31], $0xC000  }
.Ltmp0:
0x73: {  	[sflag:s31] =	ssyncset.done $0x0;
	(pc) =	sbr.rel @p0 .LBB2_1-.Ltmp0, $4  }
0x74: {  	[sflag:s31] =	ssyncadd.s32 $0xFFFF4000  }
0x75: {  	_ =	swait.ge [sflag:s1], $0x2000  }
0x76: {  	[sflag:s1] =	ssyncset.done $0x0  }
0x77: {  	s6 =	sadd.s32 $0xFFFFFFFF, s6;
	[sflag:s1] =	ssyncadd.s32 $0xFFFFE000  }
0x78: {  	_ =	sfence.sel $0x180000  }
0x79: {  	[bflag:$0x0] =	sbarrier.arrive $0xFFFF  }
0x7a: {  	_ =	strace $0x90000047  }
0x7b: {  	s0 =	stileid.u32;
	[bflag:$0x2] =	sbarrier.arrive $0xFFFF  }
0x7c: {  	p0 =	sne.s32 s0, $0x0;
	s0 =	rddreg [dreg:$0x3]  }
0x7d: {  	s0 =	sadd.s32 @!p0 $0x100000, s0  }
0x7e: {  	[sflag:s0] =	ssyncadd.tile.s32 @!p0 $0x1;
	_ =	shalt  }
.Lfunc_end2:
_tile_overlayer_lowered:
.L_overlay_start_2:
0x7f: {  	(tag) =	ssettag $0x2  }
0x80: {  	s0 =	rddreg [dreg:$0x0];
	s2 =	stileid.u32  }
0x81: {  	s1 =	rddreg [dreg:$0x1];
	p0 =	sne.s32 s2, $0x0  }
0x82: {  	s3 =	rddreg [dreg:$0x2];
	[bflag:$0x3] =	sbarrier.arrive $0xFFFF;
	s2 =	simm.s32 @!p0 $0x1C03  }
0x83: {  	[timem:s3], [sflag:s2] =	dma.local @!p0 [hbm:s0], s1  }
0x84: {  	s0 =	simm.s32 @!p0 $0x3  }
0x85: {  	_ =	swait.ge @!p0 [sflag:s0], s1  }
0x86: {  	s1 =	ssub.s32 @!p0 $0x0, s1;
	[sflag:s0] =	ssyncset.done @!p0 $0x0  }
0x87: {  	[sflag:s0] =	ssyncadd.s32 @!p0 s1  }
0x88: {  	[bflag:$0x3] =	sbarrier.arrive $0xFFFF  }
0x89: {  	_ =	shalt  }

// kernel: kernel.9.cloned.1.call-start
scs
__scs_entry_jumppad:
0x0: {  	(pc) =	sbr.rel $0x88, $3  }
0x1: {  	(tag) =	ssettag $0x0;
	lr =	simm.s32 $0x1  }
0x2: {  	[smem:$0x3F9A] =	sst lr;
	_ =	strace $0xD0000000  }
0x3: {  	_ = 	snop  }
0x4: {  	_ = 	snop  }
0x5: {  	_ = 	snop  }
0x6: {  	_ = 	snop  }
0x7: {  	_ = 	snop  }
__scs_overlays_trampoline_lowered:
0x8: {  	[smem:$0x3FA9] =	sst s0  }
0x9: {  	[smem:$0x3FAA] =	sst s1  }
0xa: {  	[smem:$0x3FAB] =	sst s2  }
0xb: {  	[smem:$0x3FAC] =	sst s3  }
0xc: {  	[smem:$0x3FAD] =	sst s4  }
0xd: {  	[smem:$0x3FAE] =	sst s5  }
0xe: {  	[smem:$0x3FAF] =	sst s6  }
0xf: {  	[smem:$0x3FB0] =	sst s7  }
0x10: {  	[smem:$0x3FB1] =	sst s8  }
0x11: {  	[smem:$0x3FB2] =	sst s9;
	s0 =	simm.s32 @!p0 $0x0  }
0x12: {  	s1 =	sld [smem:$0x3F98];
	s0 =	simm.s32 @p0 $0x1  }
0x13: {  	[smem:$0x3FB3] =	sst s0;
	s0 =	simm.s32 @!p1 $0x0  }
0x14: {  	s2 =	sld [smem:$0x3F97];
	s0 =	simm.s32 @p1 $0x1  }
0x15: {  	[smem:$0x3FB4] =	sst s0;
	s0 =	simm.s32 @!p2 $0x0  }
0x16: {  	s3 =	sld [smem:$0x3FDB];
	s0 =	simm.s32 @p2 $0x1  }
0x17: {  	s4 =	simm.s32 $0x1BF5;
	[smem:$0x3FB6] =	sst s0  }
0x18: {  	s0 =	sld [smem:$0x3F99];
	_ =	swait.ge [sflag:s4], $0x0  }
0x19: {  	s7 =	sld [smem:$0x3F9A]  }
0x1a: {  	s8 =	sadd.s32 $0xFFFFE003, lr  }
0x1b: {  	s9 =	sadd.s32 $0xFFFFFEF7, lr;
	s5 =	simm.s32 $0xFFFFFFFF;
	p2 =	slt.u32 s8, $0xFFFFF086  }
0x1c: {  	p1 =	slt.u32 s9, $0xF7A;
	s5 =	simm.s32 @!p2 $0x0  }
0x1d: {  	s5 =	simm.s32 @p1 $0x1;
	p0 =	seq.s32 s7, s2  }
0x1e: {  	s7 =	smul.u32 @!p0 $0xF7A, s2;
	p2 =	seq.s32 @!p0 s5, $0x0  }
0x1f: {  	s9 =	smul.u32 $0xF7A, s1;
	s8 =	simm.s32 @!p0 $0x1BF5;
	p2 =	por !p2, p0  }
0x20: {  	[sflag:s8] =	ssyncset.s32 @!p0 $0xFFFFF086;
	s6 =	sadd.s32 @!p0 s3, s7;
	s7 =	simm.s32 @!p0 $0x108  }
0x21: {  	s3 =	sadd.s32 s3, s9;
	s6 =	sadd.s32 @!p0 $0x88, s6;
	s7 =	simm.s32 @p2 $0x1082  }
0x22: {  	[simem:s7], [sflag:s8] =	dma.local @!p0 [hbm:s6], $0xF7A  }
0x23: {  	s9 =	sor.u32 $0xD0000000, s2;
	s6 =	simm.s32 $0x108;
	_ =	swait.ge @!p0 [sflag:s8], $0x0  }
0x24: {  	s3 =	sadd.s32 $0x88, s3;
	s6 =	simm.s32 @!p1 $0x1082;
	[sflag:s4] =	ssyncset.s32 $0xFFFFF086  }
0x25: {  	[simem:s6], [sflag:s4] =	dma.local [hbm:s3], $0xF7A  }
0x26: {  	[smem:$0x3F9A] =	sst s1;
	(tag) =	ssettag s2;
	_ =	strace s9  }
0x27: {  	s1 =	sld [smem:$0x3FAA]  }
0x28: {  	s2 =	sld [smem:$0x3FAB]  }
0x29: {  	s4 =	sld [smem:$0x3FAD]  }
0x2a: {  	p0 =	seq.s32 s5, $0x0;
	s5 =	sld [smem:$0x3FAE]  }
0x2b: {  	s6 =	sld [smem:$0x3FAF]  }
0x2c: {  	s7 =	sld [smem:$0x3FB0]  }
0x2d: {  	s3 =	simm.s32 $0x108;
	s8 =	sld [smem:$0x3FB1]  }
0x2e: {  	s3 =	simm.s32 @!p0 $0x1082;
	s9 =	sld [smem:$0x3FB2]  }
0x2f: {  	lr =	sadd.s32 s0, s3;
	s0 =	sld [smem:$0x3FA9]  }
0x30: {  	s3 =	sld [smem:$0x3FAC]  }
0x31: {  	[smem:$0x3FB5] =	sst s10  }
0x32: {  	s10 =	sld [smem:$0x3FB3];
	_ =	sdelay $0x3  }
0x33: {  	p0 =	seq.s32 s10, $0x1;
	s10 =	sld [smem:$0x3FB5];
	_ =	sdelay $0x3  }
0x34: {  	[smem:$0x3FB5] =	sst s10  }
0x35: {  	s10 =	sld [smem:$0x3FB4];
	_ =	sdelay $0x3  }
0x36: {  	p1 =	seq.s32 s10, $0x1;
	s10 =	sld [smem:$0x3FB5];
	_ =	sdelay $0x3  }
0x37: {  	[smem:$0x3FB5] =	sst s10  }
0x38: {  	s10 =	sld [smem:$0x3FB6]  }
0x39: {  	_ = 	snop;
	(pc) =	sbr.ind lr, $3  }
0x3a: {  	_ = 	snop  }
0x3b: {  	_ = 	snop  }
0x3c: {  	p2 =	seq.s32 s10, $0x1;
	s10 =	sld [smem:$0x3FB5]  }
0x3d: {  	_ =	shalt  }
0x3e: {  	_ =	shalt  }
0x3f: {  	_ =	shalt  }
0x40: {  	_ =	shalt  }
0x41: {  	_ =	shalt  }
0x42: {  	_ =	shalt  }
0x43: {  	_ =	shalt  }
0x44: {  	_ =	shalt  }
0x45: {  	_ =	shalt  }
0x46: {  	_ =	shalt  }
0x47: {  	_ =	shalt  }
0x48: {  	_ =	shalt  }
0x49: {  	_ =	shalt  }
0x4a: {  	_ =	shalt  }
0x4b: {  	_ =	shalt  }
0x4c: {  	_ =	shalt  }
0x4d: {  	_ =	shalt  }
0x4e: {  	_ =	shalt  }
0x4f: {  	_ =	shalt  }
0x50: {  	_ =	shalt  }
0x51: {  	_ =	shalt  }
0x52: {  	_ =	shalt  }
0x53: {  	_ =	shalt  }
0x54: {  	_ =	shalt  }
0x55: {  	_ =	shalt  }
0x56: {  	_ =	shalt  }
0x57: {  	_ =	shalt  }
0x58: {  	_ =	shalt  }
0x59: {  	_ =	shalt  }
0x5a: {  	_ =	shalt  }
0x5b: {  	_ =	shalt  }
0x5c: {  	_ =	shalt  }
0x5d: {  	_ =	shalt  }
0x5e: {  	_ =	shalt  }
0x5f: {  	_ =	shalt  }
0x60: {  	_ =	shalt  }
0x61: {  	_ =	shalt  }
0x62: {  	_ =	shalt  }
0x63: {  	_ =	shalt  }
0x64: {  	_ =	shalt  }
0x65: {  	_ =	shalt  }
0x66: {  	_ =	shalt  }
0x67: {  	_ =	shalt  }
0x68: {  	_ =	shalt  }
0x69: {  	_ =	shalt  }
0x6a: {  	_ =	shalt  }
0x6b: {  	_ =	shalt  }
0x6c: {  	_ =	shalt  }
0x6d: {  	_ =	shalt  }
0x6e: {  	_ =	shalt  }
0x6f: {  	_ =	shalt  }
0x70: {  	_ =	shalt  }
0x71: {  	_ =	shalt  }
0x72: {  	_ =	shalt  }
0x73: {  	_ =	shalt  }
0x74: {  	_ =	shalt  }
0x75: {  	_ =	shalt  }
0x76: {  	_ =	shalt  }
0x77: {  	_ =	shalt  }
0x78: {  	_ =	shalt  }
0x79: {  	_ =	shalt  }
0x7a: {  	_ =	shalt  }
0x7b: {  	_ =	shalt  }
0x7c: {  	_ =	shalt  }
0x7d: {  	_ =	shalt  }
0x7e: {  	_ =	shalt  }
0x7f: {  	_ =	shalt  }
0x80: {  	_ =	shalt  }
0x81: {  	_ =	shalt  }
0x82: {  	_ =	shalt  }
0x83: {  	_ =	shalt  }
0x84: {  	_ =	shalt  }
0x85: {  	_ =	shalt  }
0x86: {  	_ =	shalt  }
0x87: {  	_ =	shalt  }
.Lfunc_end0:
.L_simem_size_0:
called_computation.1_lowered:
.L_overlay_start_0:
0x88: {  	s2 =	sld [smem:$0x3FD9]  }
0x89: {  	s3 =	sld [smem:$0x3FFE];
	_ =	sdelay $0x1  }
0x8a: {  	s1 =	srdreg.scid  }
0x8b: {  	s0 =	sand.u32 $0x1, s1  }
0x8c: {  	s14 =	sshll.u32 s0, $0xA;
	s2 =	sadd.s32 s3, s2  }
0x8d: {  	s2 =	sadd.s32 s2, s14  }
0x8e: {  	[smem:$0x3FC1] =	sst s2  }
0x8f: {  	_ = 	snop  }
0x90: {  	s2 =	sld [smem:$0x3FD0];
	_ =	sdelay $0x2  }
0x91: {  	s15 =	simm.s32 $0xA;
	s4 =	simm.s32 $0x10  }
0x92: {  	[smem:s4], [sflag:s15] =	dma.local [hbm:s2], $0x1  }
0x93: {  	_ =	swait.eq [sflag:s15], $0x1  }
0x94: {  	[sflag:s15] =	ssyncset.done $0x0  }
0x95: {  	[sflag:s15] =	ssyncadd.s32 $0xFFFFFFFF  }
0x96: {  	s16 =	sld [smem:$0x10];
	(tm) =	ssettm $0x1  }
0x97: {  	s17 =	sld [smem:$0x3FFB];
	_ =	sdelay $0x3  }
0x98: {  	_ =	strace s17  }
0x99: {  	s3 =	sld [smem:$0x3FFC];
	_ =	sdelay $0x3  }
0x9a: {  	_ =	strace s3  }
0x9b: {  	s3 =	sld [smem:$0x3FFD];
	_ =	sdelay $0x3  }
0x9c: {  	_ =	strace s3  }
0x9d: {  	_ =	strace $0x8FFFFFFF  }
0x9e: {  	s18 =	sld [smem:$0x3FDB];
	_ =	sdelay $0x1  }
0x9f: {  	s19 =	simm.s32 $_scs_section_size  }
0xa0: {  	s5 =	simm.s32 $_size__tile_overlayer_lowered;
	s6 =	simm.s32 $_tile_overlayer_lowered  }
0xa1: {  	s22 =	simm.s32 $0x1BFF;
	s21 =	sshll.u32 s6, $0x1;
	s3 =	sadd.s32 s19, s18  }
0xa2: {  	s7 =	simm.s32 $0x0;
	s20 =	sshll.u32 s5, $0x1;
	s5 =	sadd.s32 s21, s3  }
0xa3: {  	[timem:s7], [sflag:s22] =	dma.local [hbm:s5], s20  }
0xa4: {  	_ =	swait.ge [sflag:s22], s20  }
0xa5: {  	s4 =	ssub.s32 $0x0, s20;
	[sflag:s22] =	ssyncset.done $0x0  }
0xa6: {  	[sflag:s22] =	ssyncadd.s32 s4;
	_ =	sdelay $0x1  }
0xa7: {  	s23 =	simm.s32 $0x1B8B  }
0xa8: {  	_ =	swait.ge [sflag:s23], $0x1  }
0xa9: {  	[sflag:s23] =	ssyncset.done $0x0  }
0xaa: {  	s25 =	simm.s32 $0x1B8E;
	s24 =	sld [smem:$0x3FFE];
	[sflag:s23] =	ssyncadd.s32 $0xFFFFFFFF  }
0xab: {  	s26 =	simm.s32 $execute0_lowered;
	[smem:$0x3FD2] =	sst s25  }
0xac: {  	s5 =	sshll.u32 s26, $0x1;
	_ =	strace $0x80000049;
	[dreg:$0x1] =	wrdreg $0xFFFFFFFF  }
0xad: {  	s28 =	simm.s32 $_size_execute0_lowered;
	s3 =	sadd.s32 s3, s5;
	[dreg:$0x0] =	wrdreg $0x0  }
0xae: {  	s5 =	sshll.u32 s28, $0x1;
	[dreg:$0x2] =	wrdreg s3  }
0xaf: {  	[dreg:$0x3] =	wrdreg s5  }
0xb0: {  	[dreg:$0x4] =	wrdreg $0xC0  }
0xb1: {  	_ =	task [dreg:s7], $0x5FFFF  }
0xb2: {  	[dreg:$0x1] =	wrdreg $0xFFFFFFFF  }
0xb3: {  	[dreg:$0x0] =	wrdreg $0x60  }
0xb4: {  	[dreg:$0x2] =	wrdreg s24  }
0xb5: {  	[dreg:$0x3] =	wrdreg s16  }
0xb6: {  	[dreg:$0x4] =	wrdreg $0x9  }
0xb7: {  	_ =	task.clear_ibuf [dreg:s7], $0x5FFFF;
	_ =	strace $0x90000049  }
0xb8: {  	s29 =	simm.s32 $0x9;
	_ =	strace $0x8000004B  }
0xb9: {  	_ =	swait.ge [sflag:s29], $0x1  }
0xba: {  	[sflag:s29] =	ssyncadd.s32 $0xFFFFFFFF  }
0xbb: {  	_ =	strace $0x9000004B  }
0xbc: {  	_ =	sfence  }
0xbd: {  	s30 =	sld [smem:$0x0];
	_ =	sdelay $0x2  }
0xbe: {  	s31 =	sshll.u32 s1, $0xD;
	s1 =	sshrl.u32 s1, $0x2  }
0xbf: {  	s3 =	sand.u32 $0x4000, s31;
	s1 =	sadd.s32 s1, s30  }
0xc0: {  	s0 =	sor.u32 s3, s0;
	s1 =	sshll.u32 s1, $0x11  }
0xc1: {  	s0 =	sor.u32 s1, s0  }
0xc2: {  	s0 =	sadd.s32 $0x8F2B, s0  }
0xc3: {  	[sflag:s0] =	ssyncadd.remote.s32 $0x1  }
0xc4: {  	_ =	sfence.sel $0xFFFF  }
0xc5: {  	[dreg:$0x0] =	wrdreg $0xFFFFFFFF;
	(pc) =	sbr.abs _section_cstart, $3  }
0xc6: {  	[dreg:$0x1] =	wrdreg $0xFFFFFFFF  }
0xc7: {  	_ =	task.clear_ibuf [dreg:s7], $0x2FFFF;
	_ =	strace $0x9FFFFFFF  }
0xc8: {  	(tm) =	ssettm $0x7FFFFFFF  }
0xc9: {  	_ =	shalt  }
tec
execute0_lowered:
.L_overlay_start_1:
0x0: {  	(tag) =	ssettag $0x1  }
0x1: {  	s0 =	rddreg [dreg:$0x0]  }
0x2: {  	s5 =	rddreg [dreg:$0x1];
	s3 =	srdreg.scid  }
0x3: {  	s2 =	simm.s32 $0x0;
	s1 =	stileid.u32;
	s26 =	simm.s32 $0x880  }
0x4: {  	s10 =	simm.s32 $0x1880;
	s11 =	simm.s32 $0x2080;
	s12 =	simm.s32 $0x2880  }
0x5: {  	s13 =	simm.s32 $0x3080;
	s14 =	simm.s32 $0x3880;
	s15 =	simm.s32 $0x4080  }
0x6: {  	s16 =	simm.s32 $0x4880;
	s17 =	simm.s32 $0x5080;
	s18 =	simm.s32 $0x5880  }
0x7: {  	s19 =	simm.s32 $0x6080;
	s20 =	simm.s32 $0x6880;
	s21 =	simm.s32 $0x7080  }
0x8: {  	s22 =	simm.s32 $0x7880;
	s28 =	simm.s32 $0xA080;
	s29 =	simm.s32 $0xA880  }
0x9: {  	s30 =	simm.s32 $0xB080;
	s31 =	simm.s32 $0xB880;
	s3 =	sand.u32 $0x1, s3  }
0xa: {  	[smem:$0x7FF] =	sst s2;
	s4 =	sshll.u32 s1, $0x4;
	s6 =	sshll.u32 s3, $0x3  }
0xb: {  	_ =	strace $0x8000004A;
	s23 =	ssub.s32 $0x2, s3;
	s3 =	sadd.s32 $0x64C00, s0  }
0xc: {  	[dreg:$0x5] =	wrdreg s26;
	s26 =	simm.s32 $0x9880;
	s4 =	sor.u32 s6, s4  }
0xd: {  	s8 =	sshrl.u32 s23, $0x1;
	s7 =	sadd.s32 s4, s0;
	s9 =	smul.u32 $0x300, s4  }
0xe: {  	s6 =	ssub.s32 s23, s8;
	s4 =	sadd.s32 $0x64D00, s0;
	s8 =	simm.s32 $0x80  }
0xf: {  	s23 =	simm.s32 $0x8080;
	s24 =	sadd.s32 $0x9A00, s7;
	s6 =	smax.u32 s6, $0x1  }
0x10: {  	v2 =	vlaneseq.u32;
	s7 =	simm.s32 $0x2;
	[dreg:$0x3] =	wrdreg s24;
	s25 =	sadd.s32 s5, s9  }
0x11: {  	vm0 =	vmmov $0xffff;
	v1 =	vshrl.u32 v2, $0x3;
	s5 =	sadd.s32 $0x64E00, s0;
	s9 =	simm.s32 $0x1080;
	s24 =	simm.s32 $0x8880  }
0x12: {  	v0 =	vand.u32 $0x7, v2;
	v2 =	vor.u32 $0x8, v2;
	v1 =	vmul.u32 $0x8, v1;
	s0 =	simm.s32 $0x1;
	[dreg:$0x4] =	wrdreg s25;
	s25 =	simm.s32 $0x9080  }
.LBB2_1:
0x13: {  	s1 =	rddreg [dreg:$0x3]  }
0x14: {  	[tilespmem:s2], [sflag:$0x2] =	stream.linear.gather [hbm4b:s1+s2], $0x40, $0x38;
	[tilespmem:$0xC080] =	vst v63  }
0x15: {  	_ =	swait.ge [sflag:s7], $0x40  }
0x16: {  	[sflag:s7] =	ssyncset.done $0x0  }
0x17: {  	[sflag:s7] =	ssyncadd.s32 $0xFFFFFFC0  }
0x18: {  	v3 =	vld [tilespmem:$0x0];
	_ =	sdelay $0x4  }
0x19: {  	v4 =	vshrl.u32 v3, $0x3  }
0x1a: {  	v4 =	vmul.u32 $0x30, v4  }
0x1b: {  	v3 =	vand.u32 $0x7, v3  }
0x1c: {  	v3 =	vor.u32 v3, v4  }
0x1d: {  	v4 =	vperm.xlane v3, v0;
	_ =	sdelay $0x1  }
0x1e: {  	v4 =	vadd.s32 v1, v4;
	_ =	sdelay $0x3  }
0x1f: {  	v3 =	vperm.xlane v3, v2  }
0x20: {  	[tilespmem:s8], [sflag:$0x1] =	stream.indirect_vreg.gather [hbm4b:s3+s2], $0x80, v4, vm0, $0xb8;
	[tilespmem:$0xC080] =	vst v63  }
0x21: {  	s1 =	rddreg [dreg:$0x5];
	v3 =	vadd.s32 v1, v3  }
0x22: {  	[tilespmem:s1], [sflag:$0x1] =	stream.indirect_vreg.gather [hbm4b:s4+s2], $0x80, v4, vm0, $0xb8;
	[tilespmem:$0xC080] =	vst v63  }
0x23: {  	_ = 	snop  }
0x24: {  	[tilespmem:s9], [sflag:$0x1] =	stream.indirect_vreg.gather [hbm4b:s5+s2], $0x80, v4, vm0, $0xb8;
	[tilespmem:$0xC080] =	vst v63  }
0x25: {  	_ = 	snop  }
0x26: {  	[tilespmem:s10], [sflag:$0x1] =	stream.indirect_vreg.gather [hbm4b:s3+s2], $0x80, v3, vm0, $0xb8;
	[tilespmem:$0xC080] =	vst v63  }
0x27: {  	_ = 	snop  }
0x28: {  	[tilespmem:s11], [sflag:$0x1] =	stream.indirect_vreg.gather [hbm4b:s4+s2], $0x80, v3, vm0, $0xb8;
	[tilespmem:$0xC080] =	vst v63  }
0x29: {  	_ = 	snop  }
0x2a: {  	[tilespmem:s12], [sflag:$0x1] =	stream.indirect_vreg.gather [hbm4b:s5+s2], $0x80, v3, vm0, $0xb8;
	[tilespmem:$0xC080] =	vst v63  }
0x2b: {  	v3 =	vld [tilespmem:$0x10];
	_ =	sdelay $0x4  }
0x2c: {  	v61 =	vshrl.u32 v3, $0x3  }
0x2d: {  	v4 =	vmul.u32 $0x30, v61  }
0x2e: {  	v3 =	vand.u32 $0x7, v3  }
0x2f: {  	v3 =	vor.u32 v3, v4  }
0x30: {  	v4 =	vperm.xlane v3, v0;
	_ =	sdelay $0x1  }
0x31: {  	v4 =	vadd.s32 v1, v4;
	_ =	sdelay $0x3  }
0x32: {  	v3 =	vperm.xlane v3, v2  }
0x33: {  	[tilespmem:s13], [sflag:$0x1] =	stream.indirect_vreg.gather [hbm4b:s3+s2], $0x80, v4, vm0, $0xb8;
	[tilespmem:$0xC080] =	vst v63  }
0x34: {  	v3 =	vadd.s32 v1, v3  }
0x35: {  	[tilespmem:s14], [sflag:$0x1] =	stream.indirect_vreg.gather [hbm4b:s4+s2], $0x80, v4, vm0, $0xb8;
	[tilespmem:$0xC080] =	vst v63  }
0x36: {  	_ = 	snop  }
0x37: {  	[tilespmem:s15], [sflag:$0x1] =	stream.indirect_vreg.gather [hbm4b:s5+s2], $0x80, v4, vm0, $0xb8;
	[tilespmem:$0xC080] =	vst v63  }
0x38: {  	_ = 	snop  }
0x39: {  	[tilespmem:s16], [sflag:$0x1] =	stream.indirect_vreg.gather [hbm4b:s3+s2], $0x80, v3, vm0, $0xb8;
	[tilespmem:$0xC080] =	vst v63  }
0x3a: {  	_ = 	snop  }
0x3b: {  	[tilespmem:s17], [sflag:$0x1] =	stream.indirect_vreg.gather [hbm4b:s4+s2], $0x80, v3, vm0, $0xb8;
	[tilespmem:$0xC080] =	vst v63  }
0x3c: {  	_ = 	snop  }
0x3d: {  	[tilespmem:s18], [sflag:$0x1] =	stream.indirect_vreg.gather [hbm4b:s5+s2], $0x80, v3, vm0, $0xb8;
	[tilespmem:$0xC080] =	vst v63  }
0x3e: {  	v3 =	vld [tilespmem:$0x20];
	_ =	sdelay $0x4  }
0x3f: {  	v62 =	vshrl.u32 v3, $0x3  }
0x40: {  	v4 =	vmul.u32 $0x30, v62  }
0x41: {  	v3 =	vand.u32 $0x7, v3  }
0x42: {  	v3 =	vor.u32 v3, v4  }
0x43: {  	v4 =	vperm.xlane v3, v0;
	_ =	sdelay $0x1  }
0x44: {  	v4 =	vadd.s32 v1, v4;
	_ =	sdelay $0x3  }
0x45: {  	v3 =	vperm.xlane v3, v2  }
0x46: {  	[tilespmem:s19], [sflag:$0x1] =	stream.indirect_vreg.gather [hbm4b:s3+s2], $0x80, v4, vm0, $0xb8;
	[tilespmem:$0xC080] =	vst v63  }
0x47: {  	v3 =	vadd.s32 v1, v3  }
0x48: {  	[tilespmem:s20], [sflag:$0x1] =	stream.indirect_vreg.gather [hbm4b:s4+s2], $0x80, v4, vm0, $0xb8;
	[tilespmem:$0xC080] =	vst v63  }
0x49: {  	_ = 	snop  }
0x4a: {  	[tilespmem:s21], [sflag:$0x1] =	stream.indirect_vreg.gather [hbm4b:s5+s2], $0x80, v4, vm0, $0xb8;
	[tilespmem:$0xC080] =	vst v63  }
0x4b: {  	_ = 	snop  }
0x4c: {  	[tilespmem:s22], [sflag:$0x1] =	stream.indirect_vreg.gather [hbm4b:s3+s2], $0x80, v3, vm0, $0xb8;
	[tilespmem:$0xC080] =	vst v63  }
0x4d: {  	_ = 	snop  }
0x4e: {  	[tilespmem:s23], [sflag:$0x1] =	stream.indirect_vreg.gather [hbm4b:s4+s2], $0x80, v3, vm0, $0xb8;
	[tilespmem:$0xC080] =	vst v63  }
0x4f: {  	_ = 	snop  }
0x50: {  	[tilespmem:s24], [sflag:$0x1] =	stream.indirect_vreg.gather [hbm4b:s5+s2], $0x80, v3, vm0, $0xb8;
	[tilespmem:$0xC080] =	vst v63  }
0x51: {  	v3 =	vld [tilespmem:$0x30];
	_ =	sdelay $0x4  }
0x52: {  	v63 =	vshrl.u32 v3, $0x3  }
0x53: {  	v4 =	vmul.u32 $0x30, v63  }
0x54: {  	v3 =	vand.u32 $0x7, v3  }
0x55: {  	v3 =	vor.u32 v3, v4  }
0x56: {  	v4 =	vperm.xlane v3, v0;
	_ =	sdelay $0x1  }
0x57: {  	v4 =	vadd.s32 v1, v4;
	_ =	sdelay $0x3  }
0x58: {  	v3 =	vperm.xlane v3, v2  }
0x59: {  	[tilespmem:s25], [sflag:$0x1] =	stream.indirect_vreg.gather [hbm4b:s3+s2], $0x80, v4, vm0, $0xb8;
	[tilespmem:$0xC080] =	vst v63  }
0x5a: {  	v3 =	vadd.s32 v1, v3  }
0x5b: {  	[tilespmem:s26], [sflag:$0x1] =	stream.indirect_vreg.gather [hbm4b:s4+s2], $0x80, v4, vm0, $0xb8;
	[tilespmem:$0xC080] =	vst v63  }
0x5c: {  	_ = 	snop  }
0x5d: {  	[tilespmem:s28], [sflag:$0x1] =	stream.indirect_vreg.gather [hbm4b:s5+s2], $0x80, v4, vm0, $0xb8;
	[tilespmem:$0xC080] =	vst v63  }
0x5e: {  	_ = 	snop  }
0x5f: {  	[tilespmem:s29], [sflag:$0x1] =	stream.indirect_vreg.gather [hbm4b:s3+s2], $0x80, v3, vm0, $0xb8;
	[tilespmem:$0xC080] =	vst v63  }
0x60: {  	_ = 	snop  }
0x61: {  	[tilespmem:s30], [sflag:$0x1] =	stream.indirect_vreg.gather [hbm4b:s4+s2], $0x80, v3, vm0, $0xb8;
	[tilespmem:$0xC080] =	vst v63  }
0x62: {  	_ = 	snop  }
0x63: {  	[tilespmem:s31], [sflag:$0x1] =	stream.indirect_vreg.gather [hbm4b:s5+s2], $0x80, v3, vm0, $0xb8;
	[tilespmem:$0xC080] =	vst v63  }
0x64: {  	_ =	swait.ge [sflag:s0], $0xC000  }
0x65: {  	p0 =	sne.s32 s6, $0x1;
	[sflag:s0] =	ssyncset.done $0x0  }
.Ltmp0:
0x66: {  	s1 =	rddreg [dreg:$0x4];
	[sflag:s0] =	ssyncadd.s32 $0xFFFF4000;
	(pc) =	sbr.rel @p0 .LBB2_1-.Ltmp0, $4  }
0x67: {  	[hbm4b:s1+s2] =	stream.linear.scatter [tilespmem:s8], [sflag:$0x2], $0xC000, $0x38;
	[tilespmem:$0xC080] =	vst v63  }
0x68: {  	_ =	swait.ge [sflag:s7], $0xC000  }
0x69: {  	[sflag:s7] =	ssyncset.done $0x0  }
0x6a: {  	s6 =	sadd.s32 $0xFFFFFFFF, s6;
	[sflag:s7] =	ssyncadd.s32 $0xFFFF4000  }
0x6b: {  	_ =	sfence.sel $0x180000  }
0x6c: {  	[bflag:$0x0] =	sbarrier.arrive $0xFFFF  }
0x6d: {  	_ =	strace $0x9000004A  }
0x6e: {  	s0 =	stileid.u32;
	[bflag:$0x2] =	sbarrier.arrive $0xFFFF  }
0x6f: {  	p0 =	sne.s32 s0, $0x0;
	s0 =	rddreg [dreg:$0x2]  }
0x70: {  	s0 =	sadd.s32 @!p0 $0x100000, s0  }
0x71: {  	[sflag:s0] =	ssyncadd.tile.s32 @!p0 $0x1;
	_ =	shalt  }
.Lfunc_end2:
_tile_overlayer_lowered:
.L_overlay_start_2:
0x72: {  	(tag) =	ssettag $0x2  }
0x73: {  	s0 =	rddreg [dreg:$0x0];
	s2 =	stileid.u32  }
0x74: {  	s1 =	rddreg [dreg:$0x1];
	p0 =	sne.s32 s2, $0x0  }
0x75: {  	s3 =	rddreg [dreg:$0x2];
	[bflag:$0x3] =	sbarrier.arrive $0xFFFF;
	s2 =	simm.s32 @!p0 $0x1C02  }
0x76: {  	[timem:s3], [sflag:s2] =	dma.local @!p0 [hbm:s0], s1  }
0x77: {  	s0 =	simm.s32 @!p0 $0x2  }
0x78: {  	_ =	swait.ge @!p0 [sflag:s0], s1  }
0x79: {  	s1 =	ssub.s32 @!p0 $0x0, s1;
	[sflag:s0] =	ssyncset.done @!p0 $0x0  }
0x7a: {  	[sflag:s0] =	ssyncadd.s32 @!p0 s1  }
0x7b: {  	[bflag:$0x3] =	sbarrier.arrive $0xFFFF  }
0x7c: {  	_ =	shalt  }

</sc_bundles>
